<compile_context>
chip_gen: v7x
topology: tpu7x:2x2x1
jax: 0.10.2.dev20260603
libtpu: 0.0.44.dev20260713+nightly
codegen_flags: <defaults>
</compile_context>

<pallas_src>
import functools

import jax
import jax.numpy as jnp
from jax import lax
from jax.experimental import pallas as pl
from jax.experimental.pallas import tpu as pltpu
from jax.experimental.pallas import tpu_sc as plsc

NREAL = 10000
NPAD = 10240
C = 256
NS = 16
SP = 8
CS = 32
BLK = 128
NBLK = NPAD // BLK
FAR = 1.0e6
BIGI = 1 << 30
EPS = 1e-5


def _qkv_body(x_ref, wq_ref, wk_ref, wv_ref, b3_ref, q_ref, k_ref, v_ref):
    xb = x_ref[...]
    q_ref[...] = jnp.dot(xb, wq_ref[...], preferred_element_type=jnp.float32) + b3_ref[0:1, :]
    k_ref[...] = jnp.dot(xb, wk_ref[...], preferred_element_type=jnp.float32) + b3_ref[1:2, :]
    v_ref[...] = jnp.dot(xb, wv_ref[...], preferred_element_type=jnp.float32) + b3_ref[2:3, :]


def _run_qkv(x_pad, Wq, Wk, Wv, b3):
    out = jax.ShapeDtypeStruct((NPAD, C), jnp.float32)
    return pl.pallas_call(
        _qkv_body,
        grid=(NBLK,),
        in_specs=[
            pl.BlockSpec((BLK, C), lambda i: (i, 0)),
            pl.BlockSpec((C, C), lambda i: (0, 0)),
            pl.BlockSpec((C, C), lambda i: (0, 0)),
            pl.BlockSpec((C, C), lambda i: (0, 0)),
            pl.BlockSpec((8, C), lambda i: (0, 0)),
        ],
        out_specs=[
            pl.BlockSpec((BLK, C), lambda i: (i, 0)),
            pl.BlockSpec((BLK, C), lambda i: (i, 0)),
            pl.BlockSpec((BLK, C), lambda i: (i, 0)),
        ],
        out_shape=[out, out, out],
    )(x_pad, Wq, Wk, Wv, b3)


def _knn_body(pb_ref, pt_ref, idx_ref):
    pb = pb_ref[...]
    pt = pt_ref[...]
    sqb = jnp.sum(pb * pb, axis=1, keepdims=True)
    sqa = jnp.sum(pt * pt, axis=0, keepdims=True)
    d2 = sqb + sqa - 2.0 * jnp.dot(pb, pt, preferred_element_type=jnp.float32)
    li = lax.broadcasted_iota(jnp.int32, (BLK, NPAD), 1)
    cur = d2
    for t in range(NS):
        am = jnp.argmin(cur, axis=1).astype(jnp.int32)[:, None]
        idx_ref[:, t:t + 1] = am
        cur = jnp.where(li == am, jnp.float32(3e38), cur)


def _run_knn(p16, p16t):
    return pl.pallas_call(
        _knn_body,
        grid=(NBLK,),
        in_specs=[
            pl.BlockSpec((BLK, 16), lambda i: (i, 0)),
            pl.BlockSpec((16, NPAD), lambda i: (0, 0)),
        ],
        out_specs=pl.BlockSpec((BLK, NS), lambda i: (i, 0)),
        out_shape=jax.ShapeDtypeStruct((NPAD, NS), jnp.int32),
    )(p16, p16t)


def _sc_gather(xk, xv, p128, idx_flat):
    info = plsc.get_sparse_core_info()
    nw = info.num_cores * info.num_subcores
    B = idx_flat.shape[0]
    b_per_w = B // nw
    CH = 128
    n_ch = b_per_w // CH
    mesh = plsc.VectorSubcoreMesh(core_axis_name="c", subcore_axis_name="s")

    @functools.partial(
        pl.kernel, mesh=mesh,
        out_type=[
            jax.ShapeDtypeStruct((B, C), jnp.float32),
            jax.ShapeDtypeStruct((B, C), jnp.float32),
            jax.ShapeDtypeStruct((B, 128), jnp.float32),
        ],
        scratch_types=[
            pltpu.VMEM((CH,), jnp.int32),
            pltpu.VMEM((CH, C), jnp.float32),
            pltpu.VMEM((CH, C), jnp.float32),
            pltpu.VMEM((CH, 128), jnp.float32),
            pltpu.SemaphoreType.DMA,
            pltpu.SemaphoreType.DMA,
            pltpu.SemaphoreType.DMA,
        ],
    )
    def k(tk_hbm, tv_hbm, tp_hbm, idx_hbm, ok_hbm, ov_hbm, op_hbm,
          idx_v, rk_v, rv_v, rp_v, sk, sv, sp):
        wid = lax.axis_index("s") * info.num_cores + lax.axis_index("c")
        base = wid * b_per_w

        def body(i, carry):
            off = base + i * CH
            pltpu.sync_copy(idx_hbm.at[pl.ds(off, CH)], idx_v)
            ck = pltpu.async_copy(tk_hbm.at[idx_v], rk_v, sk)
            cv = pltpu.async_copy(tv_hbm.at[idx_v], rv_v, sv)
            cp = pltpu.async_copy(tp_hbm.at[idx_v], rp_v, sp)
            ck.wait()
            cv.wait()
            cp.wait()
            pltpu.sync_copy(rk_v, ok_hbm.at[pl.ds(off, CH)])
            pltpu.sync_copy(rv_v, ov_hbm.at[pl.ds(off, CH)])
            pltpu.sync_copy(rp_v, op_hbm.at[pl.ds(off, CH)])
            return carry

        lax.fori_loop(0, n_ch, body, 0)

    return k(xk, xv, p128, idx_flat)


def _pr_block(prel_ref, wp1_ref, wp2_ref, bp_ref):
    prel2 = prel_ref[...].reshape(BLK * NS, 16)
    y = jnp.dot(prel2, wp1_ref[...], preferred_element_type=jnp.float32) + bp_ref[0:1, 0:16]
    y = jnp.maximum(y, 0.0)
    return jnp.dot(y, wp2_ref[...], preferred_element_type=jnp.float32) + bp_ref[1:2, :]


def _rowmask(blk_i):
    pid = lax.broadcasted_iota(jnp.int32, (BLK * NS, 1), 0) // NS + blk_i * BLK
    return jnp.where(pid < NREAL, 1.0, 0.0).astype(jnp.float32)


def _p0_body(prel_ref, wp1_ref, bp1_ref, s_ref):
    @pl.when(pl.program_id(0) == 0)
    def _():
        s_ref[...] = jnp.zeros_like(s_ref)

    prel2 = prel_ref[...].reshape(BLK * NS, 16)
    y = jnp.dot(prel2, wp1_ref[...], preferred_element_type=jnp.float32) + bp1_ref[0:1, :]
    mask = _rowmask(pl.program_id(0))
    ym = y * mask
    s_ref[0:1, :] += jnp.sum(ym, axis=0, keepdims=True)
    s_ref[1:2, :] += jnp.sum(ym * y, axis=0, keepdims=True)


def _run_p0(prel3, Wp1_16, bp1_16):
    return pl.pallas_call(
        _p0_body,
        grid=(NBLK,),
        in_specs=[
            pl.BlockSpec((BLK, NS, 16), lambda i: (i, 0, 0)),
            pl.BlockSpec((16, 16), lambda i: (0, 0)),
            pl.BlockSpec((8, 16), lambda i: (0, 0)),
        ],
        out_specs=pl.BlockSpec((8, 16), lambda i: (0, 0)),
        out_shape=jax.ShapeDtypeStruct((8, 16), jnp.float32),
    )(prel3, Wp1_16, bp1_16)


def _p1_body(xkg_ref, xq_ref, prel_ref, wp1_ref, wp2_ref, bp_ref, s_ref):
    @pl.when(pl.program_id(0) == 0)
    def _():
        s_ref[...] = jnp.zeros_like(s_ref)

    pr = _pr_block(prel_ref, wp1_ref, wp2_ref, bp_ref)
    xkg2 = xkg_ref[...].reshape(BLK * NS, C)
    xq2 = jnp.broadcast_to(xq_ref[...][:, None, :], (BLK, NS, C)).reshape(BLK * NS, C)
    r = xkg2 - xq2 + pr
    mask = _rowmask(pl.program_id(0))
    rm = r * mask
    s_ref[0:1, :] += jnp.sum(rm, axis=0, keepdims=True)
    s_ref[1:2, :] += jnp.sum(rm * r, axis=0, keepdims=True)


def _run_p1(xkg3, xq, prel3, Wp1f, Wp2_16, bpf):
    return pl.pallas_call(
        _p1_body,
        grid=(NBLK,),
        in_specs=[
            pl.BlockSpec((BLK, NS, C), lambda i: (i, 0, 0)),
            pl.BlockSpec((BLK, C), lambda i: (i, 0)),
            pl.BlockSpec((BLK, NS, 16), lambda i: (i, 0, 0)),
            pl.BlockSpec((16, 16), lambda i: (0, 0)),
            pl.BlockSpec((16, C), lambda i: (0, 0)),
            pl.BlockSpec((8, C), lambda i: (0, 0)),
        ],
        out_specs=pl.BlockSpec((8, C), lambda i: (0, 0)),
        out_shape=jax.ShapeDtypeStruct((8, C), jnp.float32),
    )(xkg3, xq, prel3, Wp1f, Wp2_16, bpf)


def _p2_body(xkg_ref, xq_ref, prel_ref, wp1_ref, wp2_ref, bp_ref,
             st2_ref, ww1_ref, u_ref, s_ref):
    @pl.when(pl.program_id(0) == 0)
    def _():
        s_ref[...] = jnp.zeros_like(s_ref)

    pr = _pr_block(prel_ref, wp1_ref, wp2_ref, bp_ref)
    xkg2 = xkg_ref[...].reshape(BLK * NS, C)
    xq2 = jnp.broadcast_to(xq_ref[...][:, None, :], (BLK, NS, C)).reshape(BLK * NS, C)
    r = xkg2 - xq2 + pr
    rn = jnp.maximum(r * st2_ref[0:1, :] + st2_ref[1:2, :], 0.0)
    u = jnp.dot(rn, ww1_ref[...], preferred_element_type=jnp.float32) + st2_ref[2:3, 0:CS]
    u_ref[...] = u.reshape(BLK, NS, CS)
    mask = _rowmask(pl.program_id(0))
    um = u * mask
    s_ref[0:1, :] += jnp.sum(um, axis=0, keepdims=True)
    s_ref[1:2, :] += jnp.sum(um * u, axis=0, keepdims=True)


def _run_p2(xkg3, xq, prel3, Wp1f, Wp2_16, bpf, st2, Ww1):
    return pl.pallas_call(
        _p2_body,
        grid=(NBLK,),
        in_specs=[
            pl.BlockSpec((BLK, NS, C), lambda i: (i, 0, 0)),
            pl.BlockSpec((BLK, C), lambda i: (i, 0)),
            pl.BlockSpec((BLK, NS, 16), lambda i: (i, 0, 0)),
            pl.BlockSpec((16, 16), lambda i: (0, 0)),
            pl.BlockSpec((16, C), lambda i: (0, 0)),
            pl.BlockSpec((8, C), lambda i: (0, 0)),
            pl.BlockSpec((8, C), lambda i: (0, 0)),
            pl.BlockSpec((C, CS), lambda i: (0, 0)),
        ],
        out_specs=[
            pl.BlockSpec((BLK, NS, CS), lambda i: (i, 0, 0)),
            pl.BlockSpec((8, CS), lambda i: (0, 0)),
        ],
        out_shape=[
            jax.ShapeDtypeStruct((NPAD, NS, CS), jnp.float32),
            jax.ShapeDtypeStruct((8, CS), jnp.float32),
        ],
    )(xkg3, xq, prel3, Wp1f, Wp2_16, bpf, st2, Ww1)


def _p3_body(u_ref, xvg_ref, prel_ref, wp1_ref, wp2_ref, bp_ref,
             st3_ref, ww2_ref, o_ref):
    u = u_ref[...].reshape(BLK * NS, CS)
    un = jnp.maximum(u * st3_ref[0:1, 0:CS] + st3_ref[1:2, 0:CS], 0.0)
    w = jnp.dot(un, ww2_ref[...], preferred_element_type=jnp.float32) + st3_ref[2:3, 0:CS]
    w3 = w.reshape(BLK, NS, CS)
    wmax = jnp.max(w3, axis=1, keepdims=True)
    we = jnp.exp(w3 - wmax)
    wsm = we / jnp.sum(we, axis=1, keepdims=True)

    pr = _pr_block(prel_ref, wp1_ref, wp2_ref, bp_ref)
    val = xvg_ref[...] + pr.reshape(BLK, NS, C)
    for s in range(SP):
        seg = val[:, :, s * CS:(s + 1) * CS] * wsm
        o_ref[:, s * CS:(s + 1) * CS] = jnp.sum(seg, axis=1)


def _run_p3(u3, xvg3, prel3, Wp1f, Wp2_16, bpf, st3, Ww2):
    return pl.pallas_call(
        _p3_body,
        grid=(NBLK,),
        in_specs=[
            pl.BlockSpec((BLK, NS, CS), lambda i: (i, 0, 0)),
            pl.BlockSpec((BLK, NS, C), lambda i: (i, 0, 0)),
            pl.BlockSpec((BLK, NS, 16), lambda i: (i, 0, 0)),
            pl.BlockSpec((16, 16), lambda i: (0, 0)),
            pl.BlockSpec((16, C), lambda i: (0, 0)),
            pl.BlockSpec((8, C), lambda i: (0, 0)),
            pl.BlockSpec((8, CS), lambda i: (0, 0)),
            pl.BlockSpec((CS, CS), lambda i: (0, 0)),
        ],
        out_specs=pl.BlockSpec((BLK, C), lambda i: (i, 0)),
        out_shape=jax.ShapeDtypeStruct((NPAD, C), jnp.float32),
    )(u3, xvg3, prel3, Wp1f, Wp2_16, bpf, st3, Ww2)


def kernel(p, x, o, Wq, bq, Wk, bk, Wv, bv, Wp1, bp1, gp, bp, Wp2, bp2,
           gw1, bw1, Ww1, bww1, gw2, bw2, Ww2, bww2):
    f32 = jnp.float32
    npad = NPAD - NREAL

    x_pad = jnp.pad(x, ((0, npad), (0, 0)))
    p16 = jnp.pad(p, ((0, npad), (0, 13)), constant_values=0.0)
    p16 = p16.at[NREAL:, 0:3].set(FAR)
    p16t = p16.T

    b3 = jnp.zeros((8, C), f32).at[0].set(bq).at[1].set(bk).at[2].set(bv)

    Wp1_16 = jnp.zeros((16, 16), f32).at[0:3, 0:3].set(Wp1)
    bp1_16 = jnp.zeros((8, 16), f32).at[0, 0:3].set(bp1)
    Wp2_16 = jnp.zeros((16, C), f32).at[0:3, :].set(Wp2)

    xq, xk, xv = _run_qkv(x_pad, Wq, Wk, Wv, b3)

    idx = _run_knn(p16, p16t)

    p128 = jnp.pad(p16, ((0, 0), (0, 112)))
    xkg, xvg, pg = _sc_gather(xk, xv, p128, idx.reshape(-1))
    xkg3 = xkg.reshape(NPAD, NS, C)
    xvg3 = xvg.reshape(NPAD, NS, C)
    prel3 = pg.reshape(NPAD, NS, 128)[:, :, 0:16] - p16[:, None, :]

    s1 = _run_p0(prel3, Wp1_16, bp1_16)
    cnt = jnp.float32(NREAL * NS)
    m1 = s1[0] / cnt
    v1 = s1[1] / cnt - m1 * m1
    gp16 = jnp.ones((16,), f32).at[0:3].set(gp)
    bpv16 = jnp.zeros((16,), f32).at[0:3].set(bp)
    sc1 = gp16 / jnp.sqrt(v1 + EPS)
    tb1 = bpv16 - m1 * sc1
    Wp1f = Wp1_16 * sc1[None, :]
    bp1f = (jnp.zeros((16,), f32).at[0:3].set(bp1)) * sc1 + tb1
    bpf = jnp.zeros((8, C), f32).at[0, 0:16].set(bp1f).at[1].set(bp2)

    s2 = _run_p1(xkg3, xq, prel3, Wp1f, Wp2_16, bpf)
    m2 = s2[0] / cnt
    v2 = s2[1] / cnt - m2 * m2
    sc2 = gw1 / jnp.sqrt(v2 + EPS)
    tb2 = bw1 - m2 * sc2
    st2 = jnp.zeros((8, C), f32).at[0].set(sc2).at[1].set(tb2).at[2, 0:CS].set(bww1)

    u3, s3 = _run_p2(xkg3, xq, prel3, Wp1f, Wp2_16, bpf, st2, Ww1)
    m3 = s3[0] / cnt
    v3 = s3[1] / cnt - m3 * m3
    sc3 = gw2 / jnp.sqrt(v3 + EPS)
    tb3 = bw2 - m3 * sc3
    st3 = jnp.zeros((8, CS), f32).at[0].set(sc3).at[1].set(tb3).at[2].set(bww2)

    out = _run_p3(u3, xvg3, prel3, Wp1f, Wp2_16, bpf, st3, Ww2)
    return out[:NREAL]

# --- scband reference (transcript-rebuilt; emitter-appended) ---
"""Pipeline reference for scband-point-transformer-vfe-85959475462562 (READ-ONLY COPY).

The authoritative reference and input builder live on the scoring server;
editing this copy changes nothing except your own understanding.
"""

import jax, jax.numpy as jnp
import numpy as np

N = 10000
C = 256      # in_planes = out_planes = mid_planes (no_of_heads=1)
NS = 16      # nsample
SP = 8       # share_planes
CS = C // SP # 32


def setup_inputs(seed: int = 0) -> dict:
    key = jax.random.key(seed)
    ks = jax.random.split(key, 12)
    def w(k, shape, s=0.05):
        return jax.random.normal(k, shape, dtype=jnp.float32) * s
    return {
        "p": jax.random.uniform(ks[0], (N, 3), dtype=jnp.float32) * 50.0,
        "x": jax.random.normal(ks[1], (N, C), dtype=jnp.float32),
        "o": jnp.array([N], dtype=jnp.int32),
        "Wq": w(ks[2], (C, C)), "bq": jnp.zeros((C,), jnp.float32),
        "Wk": w(ks[3], (C, C)), "bk": jnp.zeros((C,), jnp.float32),
        "Wv": w(ks[4], (C, C)), "bv": jnp.zeros((C,), jnp.float32),
        "Wp1": w(ks[5], (3, 3)), "bp1": jnp.zeros((3,), jnp.float32),
        "gp": jnp.ones((3,), jnp.float32), "bp": jnp.zeros((3,), jnp.float32),
        "Wp2": w(ks[6], (3, C)), "bp2": jnp.zeros((C,), jnp.float32),
        "gw1": jnp.ones((C,), jnp.float32), "bw1": jnp.zeros((C,), jnp.float32),
        "Ww1": w(ks[7], (C, CS)), "bww1": jnp.zeros((CS,), jnp.float32),
        "gw2": jnp.ones((CS,), jnp.float32), "bw2": jnp.zeros((CS,), jnp.float32),
        "Ww2": w(ks[8], (CS, CS)), "bww2": jnp.zeros((CS,), jnp.float32),
    }


def _bn(t, g, b, eps=1e-5):
    # LayerNorm1d in the source is BatchNorm1d applied over the channel dim
    # of an (n, ns, c) tensor (training-mode batch statistics over (n, ns)).
    m = jnp.mean(t, axis=(0, 1), keepdims=True)
    v = jnp.var(t, axis=(0, 1), keepdims=True)
    return (t - m) / jnp.sqrt(v + eps) * g + b


def reference(p, x, o, Wq, bq, Wk, bk, Wv, bv, Wp1, bp1, gp, bp, Wp2, bp2,
              gw1, bw1, Ww1, bww1, gw2, bw2, Ww2, bww2):
    # Linear projections q, k, v
    xq = x @ Wq + bq
    xk = x @ Wk + bk
    xv = x @ Wv + bv
    # kNN in coordinate space (single batch: o = [N]); self is its own nearest neighbor,
    # matching pointops.knn_query_and_group behavior.
    sq = jnp.sum(p * p, axis=1)
    d2 = sq[:, None] + sq[None, :] - 2.0 * (p @ p.T)
    idx = jax.lax.top_k(-d2, NS)[1]           # (N, NS) neighbor indices
    # group: with_xyz=True -> relative coords prepended; here kept separately
    p_r = p[idx] - p[:, None, :]               # (N, NS, 3)
    xkg = xk[idx]                              # (N, NS, C)
    xvg = xv[idx]                              # (N, NS, C)
    # linear_p: Linear(3,3) -> LayerNorm1d(3) -> ReLU -> Linear(3, out_planes)
    pr = p_r @ Wp1 + bp1
    pr = _bn(pr, gp, bp)
    pr = jax.nn.relu(pr)
    pr = pr @ Wp2 + bp2                        # (N, NS, C)
    # with no_of_heads=1, mid_planes == out_planes so the einops sum-reduce is identity
    r_qk = xkg - xq[:, None, :] + pr           # (N, NS, C)
    # linear_w: LN -> ReLU -> Linear(C, C//SP) -> LN -> ReLU -> Linear(C//SP, C//SP)
    w_ = _bn(r_qk, gw1, bw1)
    w_ = jax.nn.relu(w_)
    w_ = w_ @ Ww1 + bww1
    w_ = _bn(w_, gw2, bw2)
    w_ = jax.nn.relu(w_)
    w_ = w_ @ Ww2 + bww2                       # (N, NS, C//SP)
    w_ = jax.nn.softmax(w_, axis=1)            # softmax over neighbors (dim=1)
    v4 = (xvg + pr).reshape(N, NS, SP, CS)     # n ns (s i) -> n ns s i
    out = jnp.einsum('ntsi,nti->nsi', v4, w_).reshape(N, C)
    return out

if __name__ == "__main__":
    import jax
    _d = setup_inputs()
    print(jax.jit(kernel)(*tuple(_d.values())))

</pallas_src>

<mosaic_0001>
#map = affine_map<(d0, d1) -> (0, 0)>
#map1 = affine_map<(d0, d1) -> (0)>
module attributes {stable_mosaic.version = 14 : i64} {
  func.func @k(%arg0: i32, %arg1: i32, %arg2: memref<10240x256xf32, #tpu.memory_space<hbm>>, %arg3: memref<10240x256xf32, #tpu.memory_space<hbm>>, %arg4: memref<10240x128xf32, #tpu.memory_space<hbm>>, %arg5: memref<163840xi32, #tpu.memory_space<hbm>>, %arg6: memref<163840x256xf32, #tpu.memory_space<hbm>>, %arg7: memref<163840x256xf32, #tpu.memory_space<hbm>>, %arg8: memref<163840x128xf32, #tpu.memory_space<hbm>>, %arg9: memref<128xi32, #tpu.memory_space<vmem>>, %arg10: memref<128x256xf32, #tpu.memory_space<vmem>>, %arg11: memref<128x256xf32, #tpu.memory_space<vmem>>, %arg12: memref<128x128xf32, #tpu.memory_space<vmem>>, %arg13: memref<!tpu.dma_semaphore, #tpu.memory_space<semaphore_mem>>, %arg14: memref<!tpu.dma_semaphore, #tpu.memory_space<semaphore_mem>>, %arg15: memref<!tpu.dma_semaphore, #tpu.memory_space<semaphore_mem>>) attributes {dimension_semantics = [#tpu.dimension_semantics<core_parallel>, #tpu.dimension_semantics<subcore_parallel>], iteration_bounds = array<i64: 2, 16>, scalar_prefetch = 0 : i64, scratch_operands = 7 : i64, tpu.core_type = #tpu.core_type<sc_vector_subcore>, window_params = [{transform_indices = #map}, {transform_indices = #map}, {transform_indices = #map}, {transform_indices = #map1}, {transform_indices = #map}, {transform_indices = #map}, {transform_indices = #map}]} {
    %mul3A = arith.constant 2 : i32
    %mul3A_0 = arith.muli %arg1, %mul3A : i32
    %add3A = arith.addi %mul3A_0, %arg0 : i32
    %mul3A_1 = arith.constant 5120 : i32
    %mul3A_2 = arith.muli %add3A, %mul3A_1 : i32
    %scan3A = arith.constant 0 : i32
    %scan3A_3 = arith.constant 0 : i32
    %scan3A_4 = arith.constant 40 : i32
    %scan3A_5 = arith.addi %scan3A_3, %scan3A_4 : i32
    %scan3A_6 = arith.constant 1 : i32
    scf.for %scan3A_8 = %scan3A_3 to %scan3A_5 step %scan3A_6  : i32 {
      %mul3A_9 = arith.constant 128 : i32
      %mul3A_10 = arith.muli %scan3A_8, %mul3A_9 : i32
      %add3A_11 = arith.addi %mul3A_2, %mul3A_10 : i32
      "tpu.region"() ({
        %run_scoped3A = tpu.sem_alloc : memref<!tpu.dma_semaphore, #tpu.memory_space<semaphore_mem>>
        %dma_start3A_28 = tpu.memref_slice %arg5[%add3A_11] : memref<163840xi32, #tpu.memory_space<hbm>> -> memref<128xi32, #tpu.memory_space<hbm>>
        %dma_start3A_29 = tpu.memref_slice %arg5[%add3A_11] : memref<163840xi32, #tpu.memory_space<hbm>> -> memref<128xi32, #tpu.memory_space<hbm>>
        tpu.enqueue_dma source(%dma_start3A_29 : memref<128xi32, #tpu.memory_space<hbm>>) target(%arg9 : memref<128xi32, #tpu.memory_space<vmem>>) target_semaphore(%run_scoped3A : memref<!tpu.dma_semaphore, #tpu.memory_space<semaphore_mem>>)
        %dma_wait3A_30 = tpu.memref_slice %arg5[%add3A_11] : memref<163840xi32, #tpu.memory_space<hbm>> -> memref<128xi32, #tpu.memory_space<hbm>>
        %dma_wait3A_31 = tpu.memref_slice %arg5[%add3A_11] : memref<163840xi32, #tpu.memory_space<hbm>> -> memref<128xi32, #tpu.memory_space<hbm>>
        tpu.wait_dma2 semaphore(%run_scoped3A : memref<!tpu.dma_semaphore, #tpu.memory_space<semaphore_mem>>) src(%dma_wait3A_31 : memref<128xi32, #tpu.memory_space<hbm>>) dst(%arg9 : memref<128xi32, #tpu.memory_space<vmem>>)
        tpu.yield
      }) : () -> ()
      %dma_start3A = arith.constant 0 : i32
      %dma_start3A_12 = arith.constant 0 : i32
      %dma_start3A_13 = tpu.memref_slice %arg2[%dma_start3A, %dma_start3A_12] : memref<10240x256xf32, #tpu.memory_space<hbm>> -> memref<10240x256xf32, #tpu.memory_space<hbm>>
      tpu.enqueue_indirect_dma source(%dma_start3A_13 : memref<10240x256xf32, #tpu.memory_space<hbm>>) target(%arg10 : memref<128x256xf32, #tpu.memory_space<vmem>>) offsets(%arg9 : memref<128xi32, #tpu.memory_space<vmem>>) semaphore(%arg13 : memref<!tpu.dma_semaphore, #tpu.memory_space<semaphore_mem>>)
      %dma_start3A_14 = arith.constant 0 : i32
      %dma_start3A_15 = arith.constant 0 : i32
      %dma_start3A_16 = tpu.memref_slice %arg3[%dma_start3A_14, %dma_start3A_15] : memref<10240x256xf32, #tpu.memory_space<hbm>> -> memref<10240x256xf32, #tpu.memory_space<hbm>>
      tpu.enqueue_indirect_dma source(%dma_start3A_16 : memref<10240x256xf32, #tpu.memory_space<hbm>>) target(%arg11 : memref<128x256xf32, #tpu.memory_space<vmem>>) offsets(%arg9 : memref<128xi32, #tpu.memory_space<vmem>>) semaphore(%arg14 : memref<!tpu.dma_semaphore, #tpu.memory_space<semaphore_mem>>)
      %dma_start3A_17 = arith.constant 0 : i32
      %dma_start3A_18 = arith.constant 0 : i32
      %dma_start3A_19 = tpu.memref_slice %arg4[%dma_start3A_17, %dma_start3A_18] : memref<10240x128xf32, #tpu.memory_space<hbm>> -> memref<10240x128xf32, #tpu.memory_space<hbm>>
      tpu.enqueue_indirect_dma source(%dma_start3A_19 : memref<10240x128xf32, #tpu.memory_space<hbm>>) target(%arg12 : memref<128x128xf32, #tpu.memory_space<vmem>>) offsets(%arg9 : memref<128xi32, #tpu.memory_space<vmem>>) semaphore(%arg15 : memref<!tpu.dma_semaphore, #tpu.memory_space<semaphore_mem>>)
      %dma_wait3A = arith.constant 0 : i32
      %dma_wait3A_20 = arith.constant 0 : i32
      %dma_wait3A_21 = tpu.memref_slice %arg2[%dma_wait3A, %dma_wait3A_20] : memref<10240x256xf32, #tpu.memory_space<hbm>> -> memref<10240x256xf32, #tpu.memory_space<hbm>>
      tpu.wait_indirect_dma semaphore(%arg13 : memref<!tpu.dma_semaphore, #tpu.memory_space<semaphore_mem>>) src(%dma_wait3A_21 : memref<10240x256xf32, #tpu.memory_space<hbm>>) dst(%arg10 : memref<128x256xf32, #tpu.memory_space<vmem>>)
      %dma_wait3A_22 = arith.constant 0 : i32
      %dma_wait3A_23 = arith.constant 0 : i32
      %dma_wait3A_24 = tpu.memref_slice %arg3[%dma_wait3A_22, %dma_wait3A_23] : memref<10240x256xf32, #tpu.memory_space<hbm>> -> memref<10240x256xf32, #tpu.memory_space<hbm>>
      tpu.wait_indirect_dma semaphore(%arg14 : memref<!tpu.dma_semaphore, #tpu.memory_space<semaphore_mem>>) src(%dma_wait3A_24 : memref<10240x256xf32, #tpu.memory_space<hbm>>) dst(%arg11 : memref<128x256xf32, #tpu.memory_space<vmem>>)
      %dma_wait3A_25 = arith.constant 0 : i32
      %dma_wait3A_26 = arith.constant 0 : i32
      %dma_wait3A_27 = tpu.memref_slice %arg4[%dma_wait3A_25, %dma_wait3A_26] : memref<10240x128xf32, #tpu.memory_space<hbm>> -> memref<10240x128xf32, #tpu.memory_space<hbm>>
      tpu.wait_indirect_dma semaphore(%arg15 : memref<!tpu.dma_semaphore, #tpu.memory_space<semaphore_mem>>) src(%dma_wait3A_27 : memref<10240x128xf32, #tpu.memory_space<hbm>>) dst(%arg12 : memref<128x128xf32, #tpu.memory_space<vmem>>)
      "tpu.region"() ({
        %run_scoped3A = tpu.sem_alloc : memref<!tpu.dma_semaphore, #tpu.memory_space<semaphore_mem>>
        %dma_start3A_28 = arith.constant 0 : i32
        %dma_start3A_29 = tpu.memref_slice %arg6[%add3A_11, %dma_start3A_28] : memref<163840x256xf32, #tpu.memory_space<hbm>> -> memref<128x256xf32, #tpu.memory_space<hbm>>
        %dma_start3A_30 = arith.constant 0 : i32
        %dma_start3A_31 = tpu.memref_slice %arg6[%add3A_11, %dma_start3A_30] : memref<163840x256xf32, #tpu.memory_space<hbm>> -> memref<128x256xf32, #tpu.memory_space<hbm>>
        tpu.enqueue_dma source(%arg10 : memref<128x256xf32, #tpu.memory_space<vmem>>) target(%dma_start3A_31 : memref<128x256xf32, #tpu.memory_space<hbm>>) target_semaphore(%run_scoped3A : memref<!tpu.dma_semaphore, #tpu.memory_space<semaphore_mem>>)
        %dma_wait3A_32 = arith.constant 0 : i32
        %dma_wait3A_33 = tpu.memref_slice %arg6[%add3A_11, %dma_wait3A_32] : memref<163840x256xf32, #tpu.memory_space<hbm>> -> memref<128x256xf32, #tpu.memory_space<hbm>>
        %dma_wait3A_34 = arith.constant 0 : i32
        %dma_wait3A_35 = tpu.memref_slice %arg6[%add3A_11, %dma_wait3A_34] : memref<163840x256xf32, #tpu.memory_space<hbm>> -> memref<128x256xf32, #tpu.memory_space<hbm>>
        tpu.wait_dma2 semaphore(%run_scoped3A : memref<!tpu.dma_semaphore, #tpu.memory_space<semaphore_mem>>) src(%arg10 : memref<128x256xf32, #tpu.memory_space<vmem>>) dst(%dma_wait3A_35 : memref<128x256xf32, #tpu.memory_space<hbm>>)
        tpu.yield
      }) : () -> ()
      "tpu.region"() ({
        %run_scoped3A = tpu.sem_alloc : memref<!tpu.dma_semaphore, #tpu.memory_space<semaphore_mem>>
        %dma_start3A_28 = arith.constant 0 : i32
        %dma_start3A_29 = tpu.memref_slice %arg7[%add3A_11, %dma_start3A_28] : memref<163840x256xf32, #tpu.memory_space<hbm>> -> memref<128x256xf32, #tpu.memory_space<hbm>>
        %dma_start3A_30 = arith.constant 0 : i32
        %dma_start3A_31 = tpu.memref_slice %arg7[%add3A_11, %dma_start3A_30] : memref<163840x256xf32, #tpu.memory_space<hbm>> -> memref<128x256xf32, #tpu.memory_space<hbm>>
        tpu.enqueue_dma source(%arg11 : memref<128x256xf32, #tpu.memory_space<vmem>>) target(%dma_start3A_31 : memref<128x256xf32, #tpu.memory_space<hbm>>) target_semaphore(%run_scoped3A : memref<!tpu.dma_semaphore, #tpu.memory_space<semaphore_mem>>)
        %dma_wait3A_32 = arith.constant 0 : i32
        %dma_wait3A_33 = tpu.memref_slice %arg7[%add3A_11, %dma_wait3A_32] : memref<163840x256xf32, #tpu.memory_space<hbm>> -> memref<128x256xf32, #tpu.memory_space<hbm>>
        %dma_wait3A_34 = arith.constant 0 : i32
        %dma_wait3A_35 = tpu.memref_slice %arg7[%add3A_11, %dma_wait3A_34] : memref<163840x256xf32, #tpu.memory_space<hbm>> -> memref<128x256xf32, #tpu.memory_space<hbm>>
        tpu.wait_dma2 semaphore(%run_scoped3A : memref<!tpu.dma_semaphore, #tpu.memory_space<semaphore_mem>>) src(%arg11 : memref<128x256xf32, #tpu.memory_space<vmem>>) dst(%dma_wait3A_35 : memref<128x256xf32, #tpu.memory_space<hbm>>)
        tpu.yield
      }) : () -> ()
      "tpu.region"() ({
        %run_scoped3A = tpu.sem_alloc : memref<!tpu.dma_semaphore, #tpu.memory_space<semaphore_mem>>
        %dma_start3A_28 = arith.constant 0 : i32
        %dma_start3A_29 = tpu.memref_slice %arg8[%add3A_11, %dma_start3A_28] : memref<163840x128xf32, #tpu.memory_space<hbm>> -> memref<128x128xf32, #tpu.memory_space<hbm>>
        %dma_start3A_30 = arith.constant 0 : i32
        %dma_start3A_31 = tpu.memref_slice %arg8[%add3A_11, %dma_start3A_30] : memref<163840x128xf32, #tpu.memory_space<hbm>> -> memref<128x128xf32, #tpu.memory_space<hbm>>
        tpu.enqueue_dma source(%arg12 : memref<128x128xf32, #tpu.memory_space<vmem>>) target(%dma_start3A_31 : memref<128x128xf32, #tpu.memory_space<hbm>>) target_semaphore(%run_scoped3A : memref<!tpu.dma_semaphore, #tpu.memory_space<semaphore_mem>>)
        %dma_wait3A_32 = arith.constant 0 : i32
        %dma_wait3A_33 = tpu.memref_slice %arg8[%add3A_11, %dma_wait3A_32] : memref<163840x128xf32, #tpu.memory_space<hbm>> -> memref<128x128xf32, #tpu.memory_space<hbm>>
        %dma_wait3A_34 = arith.constant 0 : i32
        %dma_wait3A_35 = tpu.memref_slice %arg8[%add3A_11, %dma_wait3A_34] : memref<163840x128xf32, #tpu.memory_space<hbm>> -> memref<128x128xf32, #tpu.memory_space<hbm>>
        tpu.wait_dma2 semaphore(%run_scoped3A : memref<!tpu.dma_semaphore, #tpu.memory_space<semaphore_mem>>) src(%arg12 : memref<128x128xf32, #tpu.memory_space<vmem>>) dst(%dma_wait3A_35 : memref<128x128xf32, #tpu.memory_space<hbm>>)
        tpu.yield
      }) : () -> ()
    }
    %scan3A_7 = arith.constant 40 : i32
    return
  }
}

module attributes {stable_mosaic.version = 14 : i64} {
  func.func @_knn_body(%arg0: i32, %arg1: memref<128x16xf32, #tpu.memory_space<vmem>>, %arg2: memref<16x10240xf32, #tpu.memory_space<vmem>>, %arg3: memref<128x16xi32, #tpu.memory_space<vmem>>) attributes {dimension_semantics = [#tpu.dimension_semantics<arbitrary>], iteration_bounds = array<i64: 80>, scalar_prefetch = 0 : i64, scratch_operands = 0 : i64, tpu.core_type = #tpu.core_type<tc>, window_params = [{transform_indices = @transform_0, window_bounds = array<i64: 128, 16>}, {pipeline_mode = #tpu.pipeline_mode<synchronous>, transform_indices = @transform_1, window_bounds = array<i64: 16, 10240>}, {transform_indices = @transform_2, window_bounds = array<i64: 128, 16>}]} {
    %get3A = arith.constant 0 : index
    %get3A_0 = arith.constant 0 : index
    %get3A_1 = vector.load %arg1[%get3A, %get3A_0] : memref<128x16xf32, #tpu.memory_space<vmem>>, vector<128x16xf32>
    %get3A_2 = arith.constant 0 : index
    %get3A_3 = arith.constant 0 : index
    %get3A_4 = vector.load %arg2[%get3A_2, %get3A_3] : memref<16x10240xf32, #tpu.memory_space<vmem>>, vector<16x10240xf32>
    %mul3A = arith.mulf %get3A_1, %get3A_1 : vector<128x16xf32>
    %reduce_sum3A = arith.constant dense<0.000000e+00> : vector<128xf32>
    %reduce_sum3A_5 = vector.multi_reduction <add>, %mul3A, %reduce_sum3A [1] : vector<128x16xf32> to vector<128xf32>
    %broadcast_in_dim3A = vector.shape_cast %reduce_sum3A_5 : vector<128xf32> to vector<128x1xf32>
    %mul3A_6 = arith.mulf %get3A_4, %get3A_4 : vector<16x10240xf32>
    %reduce_sum3A_7 = arith.constant dense<0.000000e+00> : vector<10240xf32>
    %reduce_sum3A_8 = vector.multi_reduction <add>, %mul3A_6, %reduce_sum3A_7 [0] : vector<16x10240xf32> to vector<10240xf32>
    %broadcast_in_dim3A_9 = vector.shape_cast %reduce_sum3A_8 : vector<10240xf32> to vector<1x10240xf32>
    %add3A = vector.broadcast %broadcast_in_dim3A : vector<128x1xf32> to vector<128x10240xf32>
    %add3A_10 = vector.broadcast %broadcast_in_dim3A_9 : vector<1x10240xf32> to vector<128x10240xf32>
    %add3A_11 = arith.addf %add3A, %add3A_10 : vector<128x10240xf32>
    %dot_general3A = arith.constant dense<0.000000e+00> : vector<128x10240xf32>
    %dot_general3A_12 = tpu.matmul %get3A_1, %get3A_4, %dot_general3A {dimension_numbers = #tpu.dot_dimension_numbers<[1], [0], [0], [1], [0, 0, 1, 1], [], []>, transpose_lhs_hint = false} : vector<128x16xf32>, vector<16x10240xf32>, vector<128x10240xf32> -> vector<128x10240xf32>
    %mul3A_13 = arith.constant 2.000000e+00 : f32
    %mul3A_14 = vector.broadcast %mul3A_13 : f32 to vector<128x10240xf32>
    %mul3A_15 = arith.mulf %mul3A_14, %dot_general3A_12 : vector<128x10240xf32>
    %sub3A = arith.subf %add3A_11, %mul3A_15 : vector<128x10240xf32>
    %iota3A = tpu.iota {dimensions = array<i32: 1>} : vector<128x10240xi32>
    %argmin3A = tpu.reduce_index %sub3A {axis = 1 : i32, kind = #tpu.reduction_kind<arg_min>} : vector<128x10240xf32> -> vector<128xi32>
    %broadcast_in_dim3A_16 = vector.shape_cast %argmin3A : vector<128xi32> to vector<128x1xi32>
    %swap3A = arith.constant 0 : index
    %swap3A_17 = arith.constant 0 : index
    %swap3A_18 = vector.load %arg3[%swap3A, %swap3A_17] : memref<128x16xi32, #tpu.memory_space<vmem>>, vector<128x1xi32>
    tpu.vector_store %arg3[%swap3A, %swap3A_17], %broadcast_in_dim3A_16 {strides = array<i32>} : memref<128x16xi32, #tpu.memory_space<vmem>>, vector<128x1xi32>,
    %eq3A = vector.broadcast %broadcast_in_dim3A_16 : vector<128x1xi32> to vector<128x10240xi32>
    %eq3A_19 = arith.cmpi eq, %iota3A, %eq3A : vector<128x10240xi32>
    %jit3A = arith.constant 3.000000e+38 : f32
    %broadcast_in_dim3A_20 = vector.broadcast %jit3A : f32 to vector<128x10240xf32>
    %select_n3A = arith.select %eq3A_19, %broadcast_in_dim3A_20, %sub3A : vector<128x10240xi1>, vector<128x10240xf32>
    %argmin3A_21 = tpu.reduce_index %select_n3A {axis = 1 : i32, kind = #tpu.reduction_kind<arg_min>} : vector<128x10240xf32> -> vector<128xi32>
    %broadcast_in_dim3A_22 = vector.shape_cast %argmin3A_21 : vector<128xi32> to vector<128x1xi32>
    %swap3A_23 = arith.constant 0 : index
    %swap3A_24 = arith.constant 1 : index
    %swap3A_25 = vector.load %arg3[%swap3A_23, %swap3A_24] : memref<128x16xi32, #tpu.memory_space<vmem>>, vector<128x1xi32>
    tpu.vector_store %arg3[%swap3A_23, %swap3A_24], %broadcast_in_dim3A_22 {strides = array<i32>} : memref<128x16xi32, #tpu.memory_space<vmem>>, vector<128x1xi32>,
    %eq3A_26 = vector.broadcast %broadcast_in_dim3A_22 : vector<128x1xi32> to vector<128x10240xi32>
    %eq3A_27 = arith.cmpi eq, %iota3A, %eq3A_26 : vector<128x10240xi32>
    %jit3A_28 = arith.constant 3.000000e+38 : f32
    %broadcast_in_dim3A_29 = vector.broadcast %jit3A_28 : f32 to vector<128x10240xf32>
    %select_n3A_30 = arith.select %eq3A_27, %broadcast_in_dim3A_29, %select_n3A : vector<128x10240xi1>, vector<128x10240xf32>
    %argmin3A_31 = tpu.reduce_index %select_n3A_30 {axis = 1 : i32, kind = #tpu.reduction_kind<arg_min>} : vector<128x10240xf32> -> vector<128xi32>
    %broadcast_in_dim3A_32 = vector.shape_cast %argmin3A_31 : vector<128xi32> to vector<128x1xi32>
    %swap3A_33 = arith.constant 0 : index
    %swap3A_34 = arith.constant 2 : index
    %swap3A_35 = vector.load %arg3[%swap3A_33, %swap3A_34] : memref<128x16xi32, #tpu.memory_space<vmem>>, vector<128x1xi32>
    tpu.vector_store %arg3[%swap3A_33, %swap3A_34], %broadcast_in_dim3A_32 {strides = array<i32>} : memref<128x16xi32, #tpu.memory_space<vmem>>, vector<128x1xi32>,
    %eq3A_36 = vector.broadcast %broadcast_in_dim3A_32 : vector<128x1xi32> to vector<128x10240xi32>
    %eq3A_37 = arith.cmpi eq, %iota3A, %eq3A_36 : vector<128x10240xi32>
    %jit3A_38 = arith.constant 3.000000e+38 : f32
    %broadcast_in_dim3A_39 = vector.broadcast %jit3A_38 : f32 to vector<128x10240xf32>
    %select_n3A_40 = arith.select %eq3A_37, %broadcast_in_dim3A_39, %select_n3A_30 : vector<128x10240xi1>, vector<128x10240xf32>
    %argmin3A_41 = tpu.reduce_index %select_n3A_40 {axis = 1 : i32, kind = #tpu.reduction_kind<arg_min>} : vector<128x10240xf32> -> vector<128xi32>
    %broadcast_in_dim3A_42 = vector.shape_cast %argmin3A_41 : vector<128xi32> to vector<128x1xi32>
    %swap3A_43 = arith.constant 0 : index
    %swap3A_44 = arith.constant 3 : index
    %swap3A_45 = vector.load %arg3[%swap3A_43, %swap3A_44] : memref<128x16xi32, #tpu.memory_space<vmem>>, vector<128x1xi32>
    tpu.vector_store %arg3[%swap3A_43, %swap3A_44], %broadcast_in_dim3A_42 {strides = array<i32>} : memref<128x16xi32, #tpu.memory_space<vmem>>, vector<128x1xi32>,
    %eq3A_46 = vector.broadcast %broadcast_in_dim3A_42 : vector<128x1xi32> to vector<128x10240xi32>
    %eq3A_47 = arith.cmpi eq, %iota3A, %eq3A_46 : vector<128x10240xi32>
    %jit3A_48 = arith.constant 3.000000e+38 : f32
    %broadcast_in_dim3A_49 = vector.broadcast %jit3A_48 : f32 to vector<128x10240xf32>
    %select_n3A_50 = arith.select %eq3A_47, %broadcast_in_dim3A_49, %select_n3A_40 : vector<128x10240xi1>, vector<128x10240xf32>
    %argmin3A_51 = tpu.reduce_index %select_n3A_50 {axis = 1 : i32, kind = #tpu.reduction_kind<arg_min>} : vector<128x10240xf32> -> vector<128xi32>
    %broadcast_in_dim3A_52 = vector.shape_cast %argmin3A_51 : vector<128xi32> to vector<128x1xi32>
    %swap3A_53 = arith.constant 0 : index
    %swap3A_54 = arith.constant 4 : index
    %swap3A_55 = vector.load %arg3[%swap3A_53, %swap3A_54] : memref<128x16xi32, #tpu.memory_space<vmem>>, vector<128x1xi32>
    tpu.vector_store %arg3[%swap3A_53, %swap3A_54], %broadcast_in_dim3A_52 {strides = array<i32>} : memref<128x16xi32, #tpu.memory_space<vmem>>, vector<128x1xi32>,
    %eq3A_56 = vector.broadcast %broadcast_in_dim3A_52 : vector<128x1xi32> to vector<128x10240xi32>
    %eq3A_57 = arith.cmpi eq, %iota3A, %eq3A_56 : vector<128x10240xi32>
    %jit3A_58 = arith.constant 3.000000e+38 : f32
    %broadcast_in_dim3A_59 = vector.broadcast %jit3A_58 : f32 to vector<128x10240xf32>
    %select_n3A_60 = arith.select %eq3A_57, %broadcast_in_dim3A_59, %select_n3A_50 : vector<128x10240xi1>, vector<128x10240xf32>
    %argmin3A_61 = tpu.reduce_index %select_n3A_60 {axis = 1 : i32, kind = #tpu.reduction_kind<arg_min>} : vector<128x10240xf32> -> vector<128xi32>
    %broadcast_in_dim3A_62 = vector.shape_cast %argmin3A_61 : vector<128xi32> to vector<128x1xi32>
    %swap3A_63 = arith.constant 0 : index
    %swap3A_64 = arith.constant 5 : index
    %swap3A_65 = vector.load %arg3[%swap3A_63, %swap3A_64] : memref<128x16xi32, #tpu.memory_space<vmem>>, vector<128x1xi32>
    tpu.vector_store %arg3[%swap3A_63, %swap3A_64], %broadcast_in_dim3A_62 {strides = array<i32>} : memref<128x16xi32, #tpu.memory_space<vmem>>, vector<128x1xi32>,
    %eq3A_66 = vector.broadcast %broadcast_in_dim3A_62 : vector<128x1xi32> to vector<128x10240xi32>
    %eq3A_67 = arith.cmpi eq, %iota3A, %eq3A_66 : vector<128x10240xi32>
    %jit3A_68 = arith.constant 3.000000e+38 : f32
    %broadcast_in_dim3A_69 = vector.broadcast %jit3A_68 : f32 to vector<128x10240xf32>
    %select_n3A_70 = arith.select %eq3A_67, %broadcast_in_dim3A_69, %select_n3A_60 : vector<128x10240xi1>, vector<128x10240xf32>
    %argmin3A_71 = tpu.reduce_index %select_n3A_70 {axis = 1 : i32, kind = #tpu.reduction_kind<arg_min>} : vector<128x10240xf32> -> vector<128xi32>
    %broadcast_in_dim3A_72 = vector.shape_cast %argmin3A_71 : vector<128xi32> to vector<128x1xi32>
    %swap3A_73 = arith.constant 0 : index
    %swap3A_74 = arith.constant 6 : index
    %swap3A_75 = vector.load %arg3[%swap3A_73, %swap3A_74] : memref<128x16xi32, #tpu.memory_space<vmem>>, vector<128x1xi32>
    tpu.vector_store %arg3[%swap3A_73, %swap3A_74], %broadcast_in_dim3A_72 {strides = array<i32>} : memref<128x16xi32, #tpu.memory_space<vmem>>, vector<128x1xi32>,
    %eq3A_76 = vector.broadcast %broadcast_in_dim3A_72 : vector<128x1xi32> to vector<128x10240xi32>
    %eq3A_77 = arith.cmpi eq, %iota3A, %eq3A_76 : vector<128x10240xi32>
    %jit3A_78 = arith.constant 3.000000e+38 : f32
    %broadcast_in_dim3A_79 = vector.broadcast %jit3A_78 : f32 to vector<128x10240xf32>
    %select_n3A_80 = arith.select %eq3A_77, %broadcast_in_dim3A_79, %select_n3A_70 : vector<128x10240xi1>, vector<128x10240xf32>
    %argmin3A_81 = tpu.reduce_index %select_n3A_80 {axis = 1 : i32, kind = #tpu.reduction_kind<arg_min>} : vector<128x10240xf32> -> vector<128xi32>
    %broadcast_in_dim3A_82 = vector.shape_cast %argmin3A_81 : vector<128xi32> to vector<128x1xi32>
    %swap3A_83 = arith.constant 0 : index
    %swap3A_84 = arith.constant 7 : index
    %swap3A_85 = vector.load %arg3[%swap3A_83, %swap3A_84] : memref<128x16xi32, #tpu.memory_space<vmem>>, vector<128x1xi32>
    tpu.vector_store %arg3[%swap3A_83, %swap3A_84], %broadcast_in_dim3A_82 {strides = array<i32>} : memref<128x16xi32, #tpu.memory_space<vmem>>, vector<128x1xi32>,
    %eq3A_86 = vector.broadcast %broadcast_in_dim3A_82 : vector<128x1xi32> to vector<128x10240xi32>
    %eq3A_87 = arith.cmpi eq, %iota3A, %eq3A_86 : vector<128x10240xi32>
    %jit3A_88 = arith.constant 3.000000e+38 : f32
    %broadcast_in_dim3A_89 = vector.broadcast %jit3A_88 : f32 to vector<128x10240xf32>
    %select_n3A_90 = arith.select %eq3A_87, %broadcast_in_dim3A_89, %select_n3A_80 : vector<128x10240xi1>, vector<128x10240xf32>
    %argmin3A_91 = tpu.reduce_index %select_n3A_90 {axis = 1 : i32, kind = #tpu.reduction_kind<arg_min>} : vector<128x10240xf32> -> vector<128xi32>
    %broadcast_in_dim3A_92 = vector.shape_cast %argmin3A_91 : vector<128xi32> to vector<128x1xi32>
    %swap3A_93 = arith.constant 0 : index
    %swap3A_94 = arith.constant 8 : index
    %swap3A_95 = vector.load %arg3[%swap3A_93, %swap3A_94] : memref<128x16xi32, #tpu.memory_space<vmem>>, vector<128x1xi32>
    tpu.vector_store %arg3[%swap3A_93, %swap3A_94], %broadcast_in_dim3A_92 {strides = array<i32>} : memref<128x16xi32, #tpu.memory_space<vmem>>, vector<128x1xi32>,
    %eq3A_96 = vector.broadcast %broadcast_in_dim3A_92 : vector<128x1xi32> to vector<128x10240xi32>
    %eq3A_97 = arith.cmpi eq, %iota3A, %eq3A_96 : vector<128x10240xi32>
    %jit3A_98 = arith.constant 3.000000e+38 : f32
    %broadcast_in_dim3A_99 = vector.broadcast %jit3A_98 : f32 to vector<128x10240xf32>
    %select_n3A_100 = arith.select %eq3A_97, %broadcast_in_dim3A_99, %select_n3A_90 : vector<128x10240xi1>, vector<128x10240xf32>
    %argmin3A_101 = tpu.reduce_index %select_n3A_100 {axis = 1 : i32, kind = #tpu.reduction_kind<arg_min>} : vector<128x10240xf32> -> vector<128xi32>
    %broadcast_in_dim3A_102 = vector.shape_cast %argmin3A_101 : vector<128xi32> to vector<128x1xi32>
    %swap3A_103 = arith.constant 0 : index
    %swap3A_104 = arith.constant 9 : index
    %swap3A_105 = vector.load %arg3[%swap3A_103, %swap3A_104] : memref<128x16xi32, #tpu.memory_space<vmem>>, vector<128x1xi32>
    tpu.vector_store %arg3[%swap3A_103, %swap3A_104], %broadcast_in_dim3A_102 {strides = array<i32>} : memref<128x16xi32, #tpu.memory_space<vmem>>, vector<128x1xi32>,
    %eq3A_106 = vector.broadcast %broadcast_in_dim3A_102 : vector<128x1xi32> to vector<128x10240xi32>
    %eq3A_107 = arith.cmpi eq, %iota3A, %eq3A_106 : vector<128x10240xi32>
    %jit3A_108 = arith.constant 3.000000e+38 : f32
    %broadcast_in_dim3A_109 = vector.broadcast %jit3A_108 : f32 to vector<128x10240xf32>
    %select_n3A_110 = arith.select %eq3A_107, %broadcast_in_dim3A_109, %select_n3A_100 : vector<128x10240xi1>, vector<128x10240xf32>
    %argmin3A_111 = tpu.reduce_index %select_n3A_110 {axis = 1 : i32, kind = #tpu.reduction_kind<arg_min>} : vector<128x10240xf32> -> vector<128xi32>
    %broadcast_in_dim3A_112 = vector.shape_cast %argmin3A_111 : vector<128xi32> to vector<128x1xi32>
    %swap3A_113 = arith.constant 0 : index
    %swap3A_114 = arith.constant 10 : index
    %swap3A_115 = vector.load %arg3[%swap3A_113, %swap3A_114] : memref<128x16xi32, #tpu.memory_space<vmem>>, vector<128x1xi32>
    tpu.vector_store %arg3[%swap3A_113, %swap3A_114], %broadcast_in_dim3A_112 {strides = array<i32>} : memref<128x16xi32, #tpu.memory_space<vmem>>, vector<128x1xi32>,
    %eq3A_116 = vector.broadcast %broadcast_in_dim3A_112 : vector<128x1xi32> to vector<128x10240xi32>
    %eq3A_117 = arith.cmpi eq, %iota3A, %eq3A_116 : vector<128x10240xi32>
    %jit3A_118 = arith.constant 3.000000e+38 : f32
    %broadcast_in_dim3A_119 = vector.broadcast %jit3A_118 : f32 to vector<128x10240xf32>
    %select_n3A_120 = arith.select %eq3A_117, %broadcast_in_dim3A_119, %select_n3A_110 : vector<128x10240xi1>, vector<128x10240xf32>
    %argmin3A_121 = tpu.reduce_index %select_n3A_120 {axis = 1 : i32, kind = #tpu.reduction_kind<arg_min>} : vector<128x10240xf32> -> vector<128xi32>
    %broadcast_in_dim3A_122 = vector.shape_cast %argmin3A_121 : vector<128xi32> to vector<128x1xi32>
    %swap3A_123 = arith.constant 0 : index
    %swap3A_124 = arith.constant 11 : index
    %swap3A_125 = vector.load %arg3[%swap3A_123, %swap3A_124] : memref<128x16xi32, #tpu.memory_space<vmem>>, vector<128x1xi32>
    tpu.vector_store %arg3[%swap3A_123, %swap3A_124], %broadcast_in_dim3A_122 {strides = array<i32>} : memref<128x16xi32, #tpu.memory_space<vmem>>, vector<128x1xi32>,
    %eq3A_126 = vector.broadcast %broadcast_in_dim3A_122 : vector<128x1xi32> to vector<128x10240xi32>
    %eq3A_127 = arith.cmpi eq, %iota3A, %eq3A_126 : vector<128x10240xi32>
    %jit3A_128 = arith.constant 3.000000e+38 : f32
    %broadcast_in_dim3A_129 = vector.broadcast %jit3A_128 : f32 to vector<128x10240xf32>
    %select_n3A_130 = arith.select %eq3A_127, %broadcast_in_dim3A_129, %select_n3A_120 : vector<128x10240xi1>, vector<128x10240xf32>
    %argmin3A_131 = tpu.reduce_index %select_n3A_130 {axis = 1 : i32, kind = #tpu.reduction_kind<arg_min>} : vector<128x10240xf32> -> vector<128xi32>
    %broadcast_in_dim3A_132 = vector.shape_cast %argmin3A_131 : vector<128xi32> to vector<128x1xi32>
    %swap3A_133 = arith.constant 0 : index
    %swap3A_134 = arith.constant 12 : index
    %swap3A_135 = vector.load %arg3[%swap3A_133, %swap3A_134] : memref<128x16xi32, #tpu.memory_space<vmem>>, vector<128x1xi32>
    tpu.vector_store %arg3[%swap3A_133, %swap3A_134], %broadcast_in_dim3A_132 {strides = array<i32>} : memref<128x16xi32, #tpu.memory_space<vmem>>, vector<128x1xi32>,
    %eq3A_136 = vector.broadcast %broadcast_in_dim3A_132 : vector<128x1xi32> to vector<128x10240xi32>
    %eq3A_137 = arith.cmpi eq, %iota3A, %eq3A_136 : vector<128x10240xi32>
    %jit3A_138 = arith.constant 3.000000e+38 : f32
    %broadcast_in_dim3A_139 = vector.broadcast %jit3A_138 : f32 to vector<128x10240xf32>
    %select_n3A_140 = arith.select %eq3A_137, %broadcast_in_dim3A_139, %select_n3A_130 : vector<128x10240xi1>, vector<128x10240xf32>
    %argmin3A_141 = tpu.reduce_index %select_n3A_140 {axis = 1 : i32, kind = #tpu.reduction_kind<arg_min>} : vector<128x10240xf32> -> vector<128xi32>
    %broadcast_in_dim3A_142 = vector.shape_cast %argmin3A_141 : vector<128xi32> to vector<128x1xi32>
    %swap3A_143 = arith.constant 0 : index
    %swap3A_144 = arith.constant 13 : index
    %swap3A_145 = vector.load %arg3[%swap3A_143, %swap3A_144] : memref<128x16xi32, #tpu.memory_space<vmem>>, vector<128x1xi32>
    tpu.vector_store %arg3[%swap3A_143, %swap3A_144], %broadcast_in_dim3A_142 {strides = array<i32>} : memref<128x16xi32, #tpu.memory_space<vmem>>, vector<128x1xi32>,
    %eq3A_146 = vector.broadcast %broadcast_in_dim3A_142 : vector<128x1xi32> to vector<128x10240xi32>
    %eq3A_147 = arith.cmpi eq, %iota3A, %eq3A_146 : vector<128x10240xi32>
    %jit3A_148 = arith.constant 3.000000e+38 : f32
    %broadcast_in_dim3A_149 = vector.broadcast %jit3A_148 : f32 to vector<128x10240xf32>
    %select_n3A_150 = arith.select %eq3A_147, %broadcast_in_dim3A_149, %select_n3A_140 : vector<128x10240xi1>, vector<128x10240xf32>
    %argmin3A_151 = tpu.reduce_index %select_n3A_150 {axis = 1 : i32, kind = #tpu.reduction_kind<arg_min>} : vector<128x10240xf32> -> vector<128xi32>
    %broadcast_in_dim3A_152 = vector.shape_cast %argmin3A_151 : vector<128xi32> to vector<128x1xi32>
    %swap3A_153 = arith.constant 0 : index
    %swap3A_154 = arith.constant 14 : index
    %swap3A_155 = vector.load %arg3[%swap3A_153, %swap3A_154] : memref<128x16xi32, #tpu.memory_space<vmem>>, vector<128x1xi32>
    tpu.vector_store %arg3[%swap3A_153, %swap3A_154], %broadcast_in_dim3A_152 {strides = array<i32>} : memref<128x16xi32, #tpu.memory_space<vmem>>, vector<128x1xi32>,
    %eq3A_156 = vector.broadcast %broadcast_in_dim3A_152 : vector<128x1xi32> to vector<128x10240xi32>
    %eq3A_157 = arith.cmpi eq, %iota3A, %eq3A_156 : vector<128x10240xi32>
    %jit3A_158 = arith.constant 3.000000e+38 : f32
    %broadcast_in_dim3A_159 = vector.broadcast %jit3A_158 : f32 to vector<128x10240xf32>
    %select_n3A_160 = arith.select %eq3A_157, %broadcast_in_dim3A_159, %select_n3A_150 : vector<128x10240xi1>, vector<128x10240xf32>
    %argmin3A_161 = tpu.reduce_index %select_n3A_160 {axis = 1 : i32, kind = #tpu.reduction_kind<arg_min>} : vector<128x10240xf32> -> vector<128xi32>
    %broadcast_in_dim3A_162 = vector.shape_cast %argmin3A_161 : vector<128xi32> to vector<128x1xi32>
    %swap3A_163 = arith.constant 0 : index
    %swap3A_164 = arith.constant 15 : index
    %swap3A_165 = vector.load %arg3[%swap3A_163, %swap3A_164] : memref<128x16xi32, #tpu.memory_space<vmem>>, vector<128x1xi32>
    tpu.vector_store %arg3[%swap3A_163, %swap3A_164], %broadcast_in_dim3A_162 {strides = array<i32>} : memref<128x16xi32, #tpu.memory_space<vmem>>, vector<128x1xi32>,
    return
  }
  func.func @transform_0(%arg0: i32) -> (i32, i32) {
    %c0_i32 = arith.constant 0 : i32
    %c0_i32_0 = arith.constant 0 : i32
    return %arg0, %c0_i32 : i32, i32
  }
  func.func @transform_1(%arg0: i32) -> (i32, i32) {
    %c0_i32 = arith.constant 0 : i32
    %c0_i32_0 = arith.constant 0 : i32
    %c0_i32_1 = arith.constant 0 : i32
    return %c0_i32, %c0_i32_0 : i32, i32
  }
  func.func @transform_2(%arg0: i32) -> (i32, i32) {
    %c0_i32 = arith.constant 0 : i32
    %c0_i32_0 = arith.constant 0 : i32
    return %arg0, %c0_i32 : i32, i32
  }
}

module attributes {stable_mosaic.version = 14 : i64} {
  func.func @_qkv_body(%arg0: i32, %arg1: memref<128x256xf32, #tpu.memory_space<vmem>>, %arg2: memref<256x256xf32, #tpu.memory_space<vmem>>, %arg3: memref<256x256xf32, #tpu.memory_space<vmem>>, %arg4: memref<256x256xf32, #tpu.memory_space<vmem>>, %arg5: memref<8x256xf32, #tpu.memory_space<vmem>>, %arg6: memref<128x256xf32, #tpu.memory_space<vmem>>, %arg7: memref<128x256xf32, #tpu.memory_space<vmem>>, %arg8: memref<128x256xf32, #tpu.memory_space<vmem>>) attributes {dimension_semantics = [#tpu.dimension_semantics<arbitrary>], iteration_bounds = array<i64: 80>, scalar_prefetch = 0 : i64, scratch_operands = 0 : i64, tpu.core_type = #tpu.core_type<tc>, window_params = [{transform_indices = @transform_0, window_bounds = array<i64: 128, 256>}, {pipeline_mode = #tpu.pipeline_mode<synchronous>, transform_indices = @transform_1, window_bounds = array<i64: 256, 256>}, {pipeline_mode = #tpu.pipeline_mode<synchronous>, transform_indices = @transform_2, window_bounds = array<i64: 256, 256>}, {pipeline_mode = #tpu.pipeline_mode<synchronous>, transform_indices = @transform_3, window_bounds = array<i64: 256, 256>}, {pipeline_mode = #tpu.pipeline_mode<synchronous>, transform_indices = @transform_4, window_bounds = array<i64: 8, 256>}, {transform_indices = @transform_5, window_bounds = array<i64: 128, 256>}, {transform_indices = @transform_6, window_bounds = array<i64: 128, 256>}, {transform_indices = @transform_7, window_bounds = array<i64: 128, 256>}]} {
    %get3A = arith.constant 0 : index
    %get3A_0 = arith.constant 0 : index
    %get3A_1 = vector.load %arg1[%get3A, %get3A_0] : memref<128x256xf32, #tpu.memory_space<vmem>>, vector<128x256xf32>
    %get3A_2 = arith.constant 0 : index
    %get3A_3 = arith.constant 0 : index
    %get3A_4 = vector.load %arg2[%get3A_2, %get3A_3] : memref<256x256xf32, #tpu.memory_space<vmem>>, vector<256x256xf32>
    %dot_general3A = arith.constant dense<0.000000e+00> : vector<128x256xf32>
    %dot_general3A_5 = tpu.matmul %get3A_1, %get3A_4, %dot_general3A {dimension_numbers = #tpu.dot_dimension_numbers<[1], [0], [0], [1], [0, 0, 1, 1], [], []>, transpose_lhs_hint = false} : vector<128x256xf32>, vector<256x256xf32>, vector<128x256xf32> -> vector<128x256xf32>
    %get3A_6 = arith.constant 0 : index
    %get3A_7 = arith.constant 0 : index
    %get3A_8 = vector.load %arg5[%get3A_6, %get3A_7] : memref<8x256xf32, #tpu.memory_space<vmem>>, vector<1x256xf32>
    %add3A = vector.broadcast %get3A_8 : vector<1x256xf32> to vector<128x256xf32>
    %add3A_9 = arith.addf %dot_general3A_5, %add3A : vector<128x256xf32>
    %swap3A = arith.constant 0 : index
    %swap3A_10 = arith.constant 0 : index
    %swap3A_11 = vector.load %arg6[%swap3A, %swap3A_10] : memref<128x256xf32, #tpu.memory_space<vmem>>, vector<128x256xf32>
    tpu.vector_store %arg6[%swap3A, %swap3A_10], %add3A_9 {strides = array<i32>} : memref<128x256xf32, #tpu.memory_space<vmem>>, vector<128x256xf32>,
    %get3A_12 = arith.constant 0 : index
    %get3A_13 = arith.constant 0 : index
    %get3A_14 = vector.load %arg3[%get3A_12, %get3A_13] : memref<256x256xf32, #tpu.memory_space<vmem>>, vector<256x256xf32>
    %dot_general3A_15 = arith.constant dense<0.000000e+00> : vector<128x256xf32>
    %dot_general3A_16 = tpu.matmul %get3A_1, %get3A_14, %dot_general3A_15 {dimension_numbers = #tpu.dot_dimension_numbers<[1], [0], [0], [1], [0, 0, 1, 1], [], []>, transpose_lhs_hint = false} : vector<128x256xf32>, vector<256x256xf32>, vector<128x256xf32> -> vector<128x256xf32>
    %get3A_17 = arith.constant 1 : index
    %get3A_18 = arith.constant 0 : index
    %get3A_19 = vector.load %arg5[%get3A_17, %get3A_18] : memref<8x256xf32, #tpu.memory_space<vmem>>, vector<1x256xf32>
    %add3A_20 = vector.broadcast %get3A_19 : vector<1x256xf32> to vector<128x256xf32>
    %add3A_21 = arith.addf %dot_general3A_16, %add3A_20 : vector<128x256xf32>
    %swap3A_22 = arith.constant 0 : index
    %swap3A_23 = arith.constant 0 : index
    %swap3A_24 = vector.load %arg7[%swap3A_22, %swap3A_23] : memref<128x256xf32, #tpu.memory_space<vmem>>, vector<128x256xf32>
    tpu.vector_store %arg7[%swap3A_22, %swap3A_23], %add3A_21 {strides = array<i32>} : memref<128x256xf32, #tpu.memory_space<vmem>>, vector<128x256xf32>,
    %get3A_25 = arith.constant 0 : index
    %get3A_26 = arith.constant 0 : index
    %get3A_27 = vector.load %arg4[%get3A_25, %get3A_26] : memref<256x256xf32, #tpu.memory_space<vmem>>, vector<256x256xf32>
    %dot_general3A_28 = arith.constant dense<0.000000e+00> : vector<128x256xf32>
    %dot_general3A_29 = tpu.matmul %get3A_1, %get3A_27, %dot_general3A_28 {dimension_numbers = #tpu.dot_dimension_numbers<[1], [0], [0], [1], [0, 0, 1, 1], [], []>, transpose_lhs_hint = false} : vector<128x256xf32>, vector<256x256xf32>, vector<128x256xf32> -> vector<128x256xf32>
    %get3A_30 = arith.constant 2 : index
    %get3A_31 = arith.constant 0 : index
    %get3A_32 = vector.load %arg5[%get3A_30, %get3A_31] : memref<8x256xf32, #tpu.memory_space<vmem>>, vector<1x256xf32>
    %add3A_33 = vector.broadcast %get3A_32 : vector<1x256xf32> to vector<128x256xf32>
    %add3A_34 = arith.addf %dot_general3A_29, %add3A_33 : vector<128x256xf32>
    %swap3A_35 = arith.constant 0 : index
    %swap3A_36 = arith.constant 0 : index
    %swap3A_37 = vector.load %arg8[%swap3A_35, %swap3A_36] : memref<128x256xf32, #tpu.memory_space<vmem>>, vector<128x256xf32>
    tpu.vector_store %arg8[%swap3A_35, %swap3A_36], %add3A_34 {strides = array<i32>} : memref<128x256xf32, #tpu.memory_space<vmem>>, vector<128x256xf32>,
    return
  }
  func.func @transform_0(%arg0: i32) -> (i32, i32) {
    %c0_i32 = arith.constant 0 : i32
    %c0_i32_0 = arith.constant 0 : i32
    return %arg0, %c0_i32 : i32, i32
  }
  func.func @transform_1(%arg0: i32) -> (i32, i32) {
    %c0_i32 = arith.constant 0 : i32
    %c0_i32_0 = arith.constant 0 : i32
    %c0_i32_1 = arith.constant 0 : i32
    return %c0_i32, %c0_i32_0 : i32, i32
  }
  func.func @transform_2(%arg0: i32) -> (i32, i32) {
    %c0_i32 = arith.constant 0 : i32
    %c0_i32_0 = arith.constant 0 : i32
    %c0_i32_1 = arith.constant 0 : i32
    return %c0_i32, %c0_i32_0 : i32, i32
  }
  func.func @transform_3(%arg0: i32) -> (i32, i32) {
    %c0_i32 = arith.constant 0 : i32
    %c0_i32_0 = arith.constant 0 : i32
    %c0_i32_1 = arith.constant 0 : i32
    return %c0_i32, %c0_i32_0 : i32, i32
  }
  func.func @transform_4(%arg0: i32) -> (i32, i32) {
    %c0_i32 = arith.constant 0 : i32
    %c0_i32_0 = arith.constant 0 : i32
    %c0_i32_1 = arith.constant 0 : i32
    return %c0_i32, %c0_i32_0 : i32, i32
  }
  func.func @transform_5(%arg0: i32) -> (i32, i32) {
    %c0_i32 = arith.constant 0 : i32
    %c0_i32_0 = arith.constant 0 : i32
    return %arg0, %c0_i32 : i32, i32
  }
  func.func @transform_6(%arg0: i32) -> (i32, i32) {
    %c0_i32 = arith.constant 0 : i32
    %c0_i32_0 = arith.constant 0 : i32
    return %arg0, %c0_i32 : i32, i32
  }
  func.func @transform_7(%arg0: i32) -> (i32, i32) {
    %c0_i32 = arith.constant 0 : i32
    %c0_i32_0 = arith.constant 0 : i32
    return %arg0, %c0_i32 : i32, i32
  }
}

module attributes {stable_mosaic.version = 14 : i64} {
  func.func @_p0_body(%arg0: i32, %arg1: memref<128x16x16xf32, #tpu.memory_space<vmem>>, %arg2: memref<16x16xf32, #tpu.memory_space<vmem>>, %arg3: memref<8x16xf32, #tpu.memory_space<vmem>>, %arg4: memref<8x16xf32, #tpu.memory_space<vmem>>) attributes {dimension_semantics = [#tpu.dimension_semantics<arbitrary>], iteration_bounds = array<i64: 80>, scalar_prefetch = 0 : i64, scratch_operands = 0 : i64, tpu.core_type = #tpu.core_type<tc>, window_params = [{transform_indices = @transform_0, window_bounds = array<i64: 128, 16, 16>}, {pipeline_mode = #tpu.pipeline_mode<synchronous>, transform_indices = @transform_1, window_bounds = array<i64: 16, 16>}, {pipeline_mode = #tpu.pipeline_mode<synchronous>, transform_indices = @transform_2, window_bounds = array<i64: 8, 16>}, {pipeline_mode = #tpu.pipeline_mode<synchronous>, transform_indices = @transform_3, window_bounds = array<i64: 8, 16>}]} {
    %eq3A = arith.constant 0 : i32
    %eq3A_0 = arith.cmpi eq, %arg0, %eq3A : i32
    %convert_element_type3A = arith.extui %eq3A_0 : i1 to i32
    %cond3A = arith.constant 0 : i32
    %cond3A_1 = arith.cmpi ne, %convert_element_type3A, %cond3A : i32
    scf.if %cond3A_1 {
      %broadcast_in_dim3A_66 = arith.constant 0.000000e+00 : f32
      %broadcast_in_dim3A_67 = vector.broadcast %broadcast_in_dim3A_66 : f32 to vector<8x16xf32>
      %swap3A_68 = arith.constant 0 : index
      %swap3A_69 = arith.constant 0 : index
      %swap3A_70 = vector.load %arg4[%swap3A_68, %swap3A_69] : memref<8x16xf32, #tpu.memory_space<vmem>>, vector<8x16xf32>
      tpu.vector_store %arg4[%swap3A_68, %swap3A_69], %broadcast_in_dim3A_67 {strides = array<i32>} : memref<8x16xf32, #tpu.memory_space<vmem>>, vector<8x16xf32>,
    } else {
    }
    %get3A = arith.constant 0 : index
    %get3A_2 = arith.constant 0 : index
    %get3A_3 = arith.constant 0 : index
    %get3A_4 = vector.load %arg1[%get3A, %get3A_2, %get3A_3] : memref<128x16x16xf32, #tpu.memory_space<vmem>>, vector<128x16x16xf32>
    %reshape3A = vector.shape_cast %get3A_4 : vector<128x16x16xf32> to vector<2048x16xf32>
    %get3A_5 = arith.constant 0 : index
    %get3A_6 = arith.constant 0 : index
    %get3A_7 = vector.load %arg2[%get3A_5, %get3A_6] : memref<16x16xf32, #tpu.memory_space<vmem>>, vector<16x16xf32>
    %dot_general3A = arith.constant dense<0.000000e+00> : vector<2048x16xf32>
    %dot_general3A_8 = tpu.matmul %reshape3A, %get3A_7, %dot_general3A {dimension_numbers = #tpu.dot_dimension_numbers<[1], [0], [0], [1], [0, 0, 1, 1], [], []>, transpose_lhs_hint = false} : vector<2048x16xf32>, vector<16x16xf32>, vector<2048x16xf32> -> vector<2048x16xf32>
    %get3A_9 = arith.constant 0 : index
    %get3A_10 = arith.constant 0 : index
    %get3A_11 = vector.load %arg3[%get3A_9, %get3A_10] : memref<8x16xf32, #tpu.memory_space<vmem>>, vector<1x16xf32>
    %add3A = vector.broadcast %get3A_11 : vector<1x16xf32> to vector<2048x16xf32>
    %add3A_12 = arith.addf %dot_general3A_8, %add3A : vector<2048x16xf32>
    %iota3A = tpu.iota {dimensions = array<i32: 0>} : vector<2048x1xi32>
    %jit3A = arith.constant 16 : i32
    %div3A = vector.broadcast %jit3A : i32 to vector<2048x1xi32>
    %div3A_13 = arith.divsi %iota3A, %div3A : vector<2048x1xi32>
    %sign3A = arith.constant 0 : i32
    %sign3A_14 = vector.broadcast %sign3A : i32 to vector<2048x1xi32>
    %sign3A_15 = arith.cmpi sgt, %iota3A, %sign3A_14 : vector<2048x1xi32>
    %sign3A_16 = arith.extui %sign3A_15 : vector<2048x1xi1> to vector<2048x1xi32>
    %sign3A_17 = arith.constant 0 : i32
    %sign3A_18 = vector.broadcast %sign3A_17 : i32 to vector<2048x1xi32>
    %sign3A_19 = arith.cmpi slt, %iota3A, %sign3A_18 : vector<2048x1xi32>
    %sign3A_20 = arith.extui %sign3A_19 : vector<2048x1xi1> to vector<2048x1xi32>
    %sign3A_21 = arith.subi %sign3A_16, %sign3A_20 : vector<2048x1xi32>
    %sign3A_22 = arith.constant 0 : i32
    %sign3A_23 = arith.cmpi sgt, %jit3A, %sign3A_22 : i32
    %sign3A_24 = arith.extui %sign3A_23 : i1 to i32
    %sign3A_25 = arith.constant 0 : i32
    %sign3A_26 = arith.cmpi slt, %jit3A, %sign3A_25 : i32
    %sign3A_27 = arith.extui %sign3A_26 : i1 to i32
    %sign3A_28 = arith.subi %sign3A_24, %sign3A_27 : i32
    %ne3A = vector.broadcast %sign3A_28 : i32 to vector<2048x1xi32>
    %ne3A_29 = arith.cmpi ne, %sign3A_21, %ne3A : vector<2048x1xi32>
    %rem3A = vector.broadcast %jit3A : i32 to vector<2048x1xi32>
    %rem3A_30 = arith.remsi %iota3A, %rem3A : vector<2048x1xi32>
    %ne3A_31 = arith.constant 0 : i32
    %ne3A_32 = vector.broadcast %ne3A_31 : i32 to vector<2048x1xi32>
    %ne3A_33 = arith.cmpi ne, %rem3A_30, %ne3A_32 : vector<2048x1xi32>
    %and3A = arith.andi %ne3A_29, %ne3A_33 : vector<2048x1xi1>
    %sub3A = arith.constant 1 : i32
    %sub3A_34 = vector.broadcast %sub3A : i32 to vector<2048x1xi32>
    %sub3A_35 = arith.subi %div3A_13, %sub3A_34 : vector<2048x1xi32>
    %select_n3A = arith.select %and3A, %sub3A_35, %div3A_13 : vector<2048x1xi1>, vector<2048x1xi32>
    %mul3A = arith.constant 128 : i32
    %mul3A_36 = arith.muli %arg0, %mul3A : i32
    %add3A_37 = vector.broadcast %mul3A_36 : i32 to vector<2048x1xi32>
    %add3A_38 = arith.addi %select_n3A, %add3A_37 : vector<2048x1xi32>
    %lt3A = arith.constant 10000 : i32
    %lt3A_39 = vector.broadcast %lt3A : i32 to vector<2048x1xi32>
    %lt3A_40 = arith.cmpi slt, %add3A_38, %lt3A_39 : vector<2048x1xi32>
    %jit3A_41 = arith.constant 1.000000e+00 : f32
    %jit3A_42 = arith.constant 0.000000e+00 : f32
    %broadcast_in_dim3A = vector.broadcast %jit3A_41 : f32 to vector<2048x1xf32>
    %broadcast_in_dim3A_43 = vector.broadcast %jit3A_42 : f32 to vector<2048x1xf32>
    %select_n3A_44 = arith.select %lt3A_40, %broadcast_in_dim3A, %broadcast_in_dim3A_43 : vector<2048x1xi1>, vector<2048x1xf32>
    %mul3A_45 = vector.broadcast %select_n3A_44 : vector<2048x1xf32> to vector<2048x16xf32>
    %mul3A_46 = arith.mulf %add3A_12, %mul3A_45 : vector<2048x16xf32>
    %get3A_47 = arith.constant 0 : index
    %get3A_48 = arith.constant 0 : index
    %get3A_49 = vector.load %arg4[%get3A_47, %get3A_48] : memref<8x16xf32, #tpu.memory_space<vmem>>, vector<1x16xf32>
    %reduce_sum3A = arith.constant dense<0.000000e+00> : vector<16xf32>
    %reduce_sum3A_50 = vector.multi_reduction <add>, %mul3A_46, %reduce_sum3A [0] : vector<2048x16xf32> to vector<16xf32>
    %broadcast_in_dim3A_51 = vector.shape_cast %reduce_sum3A_50 : vector<16xf32> to vector<1x16xf32>
    %add3A_52 = arith.addf %get3A_49, %broadcast_in_dim3A_51 : vector<1x16xf32>
    %swap3A = arith.constant 0 : index
    %swap3A_53 = arith.constant 0 : index
    %swap3A_54 = vector.load %arg4[%swap3A, %swap3A_53] : memref<8x16xf32, #tpu.memory_space<vmem>>, vector<1x16xf32>
    tpu.vector_store %arg4[%swap3A, %swap3A_53], %add3A_52 {strides = array<i32>} : memref<8x16xf32, #tpu.memory_space<vmem>>, vector<1x16xf32>,
    %get3A_55 = arith.constant 1 : index
    %get3A_56 = arith.constant 0 : index
    %get3A_57 = vector.load %arg4[%get3A_55, %get3A_56] : memref<8x16xf32, #tpu.memory_space<vmem>>, vector<1x16xf32>
    %mul3A_58 = arith.mulf %mul3A_46, %add3A_12 : vector<2048x16xf32>
    %reduce_sum3A_59 = arith.constant dense<0.000000e+00> : vector<16xf32>
    %reduce_sum3A_60 = vector.multi_reduction <add>, %mul3A_58, %reduce_sum3A_59 [0] : vector<2048x16xf32> to vector<16xf32>
    %broadcast_in_dim3A_61 = vector.shape_cast %reduce_sum3A_60 : vector<16xf32> to vector<1x16xf32>
    %add3A_62 = arith.addf %get3A_57, %broadcast_in_dim3A_61 : vector<1x16xf32>
    %swap3A_63 = arith.constant 1 : index
    %swap3A_64 = arith.constant 0 : index
    %swap3A_65 = vector.load %arg4[%swap3A_63, %swap3A_64] : memref<8x16xf32, #tpu.memory_space<vmem>>, vector<1x16xf32>
    tpu.vector_store %arg4[%swap3A_63, %swap3A_64], %add3A_62 {strides = array<i32>} : memref<8x16xf32, #tpu.memory_space<vmem>>, vector<1x16xf32>,
    return
  }
  func.func @transform_0(%arg0: i32) -> (i32, i32, i32) {
    %c0_i32 = arith.constant 0 : i32
    %c0_i32_0 = arith.constant 0 : i32
    %c0_i32_1 = arith.constant 0 : i32
    return %arg0, %c0_i32, %c0_i32_0 : i32, i32, i32
  }
  func.func @transform_1(%arg0: i32) -> (i32, i32) {
    %c0_i32 = arith.constant 0 : i32
    %c0_i32_0 = arith.constant 0 : i32
    %c0_i32_1 = arith.constant 0 : i32
    return %c0_i32, %c0_i32_0 : i32, i32
  }
  func.func @transform_2(%arg0: i32) -> (i32, i32) {
    %c0_i32 = arith.constant 0 : i32
    %c0_i32_0 = arith.constant 0 : i32
    %c0_i32_1 = arith.constant 0 : i32
    return %c0_i32, %c0_i32_0 : i32, i32
  }
  func.func @transform_3(%arg0: i32) -> (i32, i32) {
    %c0_i32 = arith.constant 0 : i32
    %c0_i32_0 = arith.constant 0 : i32
    %c0_i32_1 = arith.constant 0 : i32
    return %c0_i32, %c0_i32_0 : i32, i32
  }
}

module attributes {stable_mosaic.version = 14 : i64} {
  func.func @_p1_body(%arg0: i32, %arg1: memref<128x16x256xf32, #tpu.memory_space<vmem>>, %arg2: memref<128x256xf32, #tpu.memory_space<vmem>>, %arg3: memref<128x16x16xf32, #tpu.memory_space<vmem>>, %arg4: memref<16x16xf32, #tpu.memory_space<vmem>>, %arg5: memref<16x256xf32, #tpu.memory_space<vmem>>, %arg6: memref<8x256xf32, #tpu.memory_space<vmem>>, %arg7: memref<8x256xf32, #tpu.memory_space<vmem>>) attributes {dimension_semantics = [#tpu.dimension_semantics<arbitrary>], iteration_bounds = array<i64: 80>, scalar_prefetch = 0 : i64, scratch_operands = 0 : i64, tpu.core_type = #tpu.core_type<tc>, window_params = [{transform_indices = @transform_0, window_bounds = array<i64: 128, 16, 256>}, {transform_indices = @transform_1, window_bounds = array<i64: 128, 256>}, {transform_indices = @transform_2, window_bounds = array<i64: 128, 16, 16>}, {pipeline_mode = #tpu.pipeline_mode<synchronous>, transform_indices = @transform_3, window_bounds = array<i64: 16, 16>}, {pipeline_mode = #tpu.pipeline_mode<synchronous>, transform_indices = @transform_4, window_bounds = array<i64: 16, 256>}, {pipeline_mode = #tpu.pipeline_mode<synchronous>, transform_indices = @transform_5, window_bounds = array<i64: 8, 256>}, {pipeline_mode = #tpu.pipeline_mode<synchronous>, transform_indices = @transform_6, window_bounds = array<i64: 8, 256>}]} {
    %eq3A = arith.constant 0 : i32
    %eq3A_0 = arith.cmpi eq, %arg0, %eq3A : i32
    %convert_element_type3A = arith.extui %eq3A_0 : i1 to i32
    %cond3A = arith.constant 0 : i32
    %cond3A_1 = arith.cmpi ne, %convert_element_type3A, %cond3A : i32
    scf.if %cond3A_1 {
      %broadcast_in_dim3A_92 = arith.constant 0.000000e+00 : f32
      %broadcast_in_dim3A_93 = vector.broadcast %broadcast_in_dim3A_92 : f32 to vector<8x256xf32>
      %swap3A_94 = arith.constant 0 : index
      %swap3A_95 = arith.constant 0 : index
      %swap3A_96 = vector.load %arg7[%swap3A_94, %swap3A_95] : memref<8x256xf32, #tpu.memory_space<vmem>>, vector<8x256xf32>
      tpu.vector_store %arg7[%swap3A_94, %swap3A_95], %broadcast_in_dim3A_93 {strides = array<i32>} : memref<8x256xf32, #tpu.memory_space<vmem>>, vector<8x256xf32>,
    } else {
    }
    %get3A = arith.constant 0 : index
    %get3A_2 = arith.constant 0 : index
    %get3A_3 = arith.constant 0 : index
    %get3A_4 = vector.load %arg3[%get3A, %get3A_2, %get3A_3] : memref<128x16x16xf32, #tpu.memory_space<vmem>>, vector<128x16x16xf32>
    %reshape3A = vector.shape_cast %get3A_4 : vector<128x16x16xf32> to vector<2048x16xf32>
    %get3A_5 = arith.constant 0 : index
    %get3A_6 = arith.constant 0 : index
    %get3A_7 = vector.load %arg4[%get3A_5, %get3A_6] : memref<16x16xf32, #tpu.memory_space<vmem>>, vector<16x16xf32>
    %dot_general3A = arith.constant dense<0.000000e+00> : vector<2048x16xf32>
    %dot_general3A_8 = tpu.matmul %reshape3A, %get3A_7, %dot_general3A {dimension_numbers = #tpu.dot_dimension_numbers<[1], [0], [0], [1], [0, 0, 1, 1], [], []>, transpose_lhs_hint = false} : vector<2048x16xf32>, vector<16x16xf32>, vector<2048x16xf32> -> vector<2048x16xf32>
    %get3A_9 = arith.constant 0 : index
    %get3A_10 = arith.constant 0 : index
    %get3A_11 = vector.load %arg6[%get3A_9, %get3A_10] : memref<8x256xf32, #tpu.memory_space<vmem>>, vector<1x16xf32>
    %add3A = vector.broadcast %get3A_11 : vector<1x16xf32> to vector<2048x16xf32>
    %add3A_12 = arith.addf %dot_general3A_8, %add3A : vector<2048x16xf32>
    %max3A = arith.constant 0.000000e+00 : f32
    %max3A_13 = vector.broadcast %max3A : f32 to vector<2048x16xf32>
    %max3A_14 = arith.maximumf %add3A_12, %max3A_13 : vector<2048x16xf32>
    %get3A_15 = arith.constant 0 : index
    %get3A_16 = arith.constant 0 : index
    %get3A_17 = vector.load %arg5[%get3A_15, %get3A_16] : memref<16x256xf32, #tpu.memory_space<vmem>>, vector<16x256xf32>
    %dot_general3A_18 = arith.constant dense<0.000000e+00> : vector<2048x256xf32>
    %dot_general3A_19 = tpu.matmul %max3A_14, %get3A_17, %dot_general3A_18 {dimension_numbers = #tpu.dot_dimension_numbers<[1], [0], [0], [1], [0, 0, 1, 1], [], []>, transpose_lhs_hint = false} : vector<2048x16xf32>, vector<16x256xf32>, vector<2048x256xf32> -> vector<2048x256xf32>
    %get3A_20 = arith.constant 1 : index
    %get3A_21 = arith.constant 0 : index
    %get3A_22 = vector.load %arg6[%get3A_20, %get3A_21] : memref<8x256xf32, #tpu.memory_space<vmem>>, vector<1x256xf32>
    %add3A_23 = vector.broadcast %get3A_22 : vector<1x256xf32> to vector<2048x256xf32>
    %add3A_24 = arith.addf %dot_general3A_19, %add3A_23 : vector<2048x256xf32>
    %get3A_25 = arith.constant 0 : index
    %get3A_26 = arith.constant 0 : index
    %get3A_27 = arith.constant 0 : index
    %get3A_28 = vector.load %arg1[%get3A_25, %get3A_26, %get3A_27] : memref<128x16x256xf32, #tpu.memory_space<vmem>>, vector<128x16x256xf32>
    %reshape3A_29 = vector.shape_cast %get3A_28 : vector<128x16x256xf32> to vector<2048x256xf32>
    %get3A_30 = arith.constant 0 : index
    %get3A_31 = arith.constant 0 : index
    %get3A_32 = vector.load %arg2[%get3A_30, %get3A_31] : memref<128x256xf32, #tpu.memory_space<vmem>>, vector<128x256xf32>
    %broadcast_in_dim3A = vector.shape_cast %get3A_32 : vector<128x256xf32> to vector<128x1x256xf32>
    %broadcast_in_dim3A_33 = vector.shape_cast %broadcast_in_dim3A : vector<128x1x256xf32> to vector<128x1x256xf32>
    %broadcast_in_dim3A_34 = vector.broadcast %broadcast_in_dim3A_33 : vector<128x1x256xf32> to vector<128x16x256xf32>
    %reshape3A_35 = vector.shape_cast %broadcast_in_dim3A_34 : vector<128x16x256xf32> to vector<2048x256xf32>
    %sub3A = arith.subf %reshape3A_29, %reshape3A_35 : vector<2048x256xf32>
    %add3A_36 = arith.addf %sub3A, %add3A_24 : vector<2048x256xf32>
    %iota3A = tpu.iota {dimensions = array<i32: 0>} : vector<2048x1xi32>
    %jit3A = arith.constant 16 : i32
    %div3A = vector.broadcast %jit3A : i32 to vector<2048x1xi32>
    %div3A_37 = arith.divsi %iota3A, %div3A : vector<2048x1xi32>
    %sign3A = arith.constant 0 : i32
    %sign3A_38 = vector.broadcast %sign3A : i32 to vector<2048x1xi32>
    %sign3A_39 = arith.cmpi sgt, %iota3A, %sign3A_38 : vector<2048x1xi32>
    %sign3A_40 = arith.extui %sign3A_39 : vector<2048x1xi1> to vector<2048x1xi32>
    %sign3A_41 = arith.constant 0 : i32
    %sign3A_42 = vector.broadcast %sign3A_41 : i32 to vector<2048x1xi32>
    %sign3A_43 = arith.cmpi slt, %iota3A, %sign3A_42 : vector<2048x1xi32>
    %sign3A_44 = arith.extui %sign3A_43 : vector<2048x1xi1> to vector<2048x1xi32>
    %sign3A_45 = arith.subi %sign3A_40, %sign3A_44 : vector<2048x1xi32>
    %sign3A_46 = arith.constant 0 : i32
    %sign3A_47 = arith.cmpi sgt, %jit3A, %sign3A_46 : i32
    %sign3A_48 = arith.extui %sign3A_47 : i1 to i32
    %sign3A_49 = arith.constant 0 : i32
    %sign3A_50 = arith.cmpi slt, %jit3A, %sign3A_49 : i32
    %sign3A_51 = arith.extui %sign3A_50 : i1 to i32
    %sign3A_52 = arith.subi %sign3A_48, %sign3A_51 : i32
    %ne3A = vector.broadcast %sign3A_52 : i32 to vector<2048x1xi32>
    %ne3A_53 = arith.cmpi ne, %sign3A_45, %ne3A : vector<2048x1xi32>
    %rem3A = vector.broadcast %jit3A : i32 to vector<2048x1xi32>
    %rem3A_54 = arith.remsi %iota3A, %rem3A : vector<2048x1xi32>
    %ne3A_55 = arith.constant 0 : i32
    %ne3A_56 = vector.broadcast %ne3A_55 : i32 to vector<2048x1xi32>
    %ne3A_57 = arith.cmpi ne, %rem3A_54, %ne3A_56 : vector<2048x1xi32>
    %and3A = arith.andi %ne3A_53, %ne3A_57 : vector<2048x1xi1>
    %sub3A_58 = arith.constant 1 : i32
    %sub3A_59 = vector.broadcast %sub3A_58 : i32 to vector<2048x1xi32>
    %sub3A_60 = arith.subi %div3A_37, %sub3A_59 : vector<2048x1xi32>
    %select_n3A = arith.select %and3A, %sub3A_60, %div3A_37 : vector<2048x1xi1>, vector<2048x1xi32>
    %mul3A = arith.constant 128 : i32
    %mul3A_61 = arith.muli %arg0, %mul3A : i32
    %add3A_62 = vector.broadcast %mul3A_61 : i32 to vector<2048x1xi32>
    %add3A_63 = arith.addi %select_n3A, %add3A_62 : vector<2048x1xi32>
    %lt3A = arith.constant 10000 : i32
    %lt3A_64 = vector.broadcast %lt3A : i32 to vector<2048x1xi32>
    %lt3A_65 = arith.cmpi slt, %add3A_63, %lt3A_64 : vector<2048x1xi32>
    %jit3A_66 = arith.constant 1.000000e+00 : f32
    %jit3A_67 = arith.constant 0.000000e+00 : f32
    %broadcast_in_dim3A_68 = vector.broadcast %jit3A_66 : f32 to vector<2048x1xf32>
    %broadcast_in_dim3A_69 = vector.broadcast %jit3A_67 : f32 to vector<2048x1xf32>
    %select_n3A_70 = arith.select %lt3A_65, %broadcast_in_dim3A_68, %broadcast_in_dim3A_69 : vector<2048x1xi1>, vector<2048x1xf32>
    %mul3A_71 = vector.broadcast %select_n3A_70 : vector<2048x1xf32> to vector<2048x256xf32>
    %mul3A_72 = arith.mulf %add3A_36, %mul3A_71 : vector<2048x256xf32>
    %get3A_73 = arith.constant 0 : index
    %get3A_74 = arith.constant 0 : index
    %get3A_75 = vector.load %arg7[%get3A_73, %get3A_74] : memref<8x256xf32, #tpu.memory_space<vmem>>, vector<1x256xf32>
    %reduce_sum3A = arith.constant dense<0.000000e+00> : vector<256xf32>
    %reduce_sum3A_76 = vector.multi_reduction <add>, %mul3A_72, %reduce_sum3A [0] : vector<2048x256xf32> to vector<256xf32>
    %broadcast_in_dim3A_77 = vector.shape_cast %reduce_sum3A_76 : vector<256xf32> to vector<1x256xf32>
    %add3A_78 = arith.addf %get3A_75, %broadcast_in_dim3A_77 : vector<1x256xf32>
    %swap3A = arith.constant 0 : index
    %swap3A_79 = arith.constant 0 : index
    %swap3A_80 = vector.load %arg7[%swap3A, %swap3A_79] : memref<8x256xf32, #tpu.memory_space<vmem>>, vector<1x256xf32>
    tpu.vector_store %arg7[%swap3A, %swap3A_79], %add3A_78 {strides = array<i32>} : memref<8x256xf32, #tpu.memory_space<vmem>>, vector<1x256xf32>,
    %get3A_81 = arith.constant 1 : index
    %get3A_82 = arith.constant 0 : index
    %get3A_83 = vector.load %arg7[%get3A_81, %get3A_82] : memref<8x256xf32, #tpu.memory_space<vmem>>, vector<1x256xf32>
    %mul3A_84 = arith.mulf %mul3A_72, %add3A_36 : vector<2048x256xf32>
    %reduce_sum3A_85 = arith.constant dense<0.000000e+00> : vector<256xf32>
    %reduce_sum3A_86 = vector.multi_reduction <add>, %mul3A_84, %reduce_sum3A_85 [0] : vector<2048x256xf32> to vector<256xf32>
    %broadcast_in_dim3A_87 = vector.shape_cast %reduce_sum3A_86 : vector<256xf32> to vector<1x256xf32>
    %add3A_88 = arith.addf %get3A_83, %broadcast_in_dim3A_87 : vector<1x256xf32>
    %swap3A_89 = arith.constant 1 : index
    %swap3A_90 = arith.constant 0 : index
    %swap3A_91 = vector.load %arg7[%swap3A_89, %swap3A_90] : memref<8x256xf32, #tpu.memory_space<vmem>>, vector<1x256xf32>
    tpu.vector_store %arg7[%swap3A_89, %swap3A_90], %add3A_88 {strides = array<i32>} : memref<8x256xf32, #tpu.memory_space<vmem>>, vector<1x256xf32>,
    return
  }
  func.func @transform_0(%arg0: i32) -> (i32, i32, i32) {
    %c0_i32 = arith.constant 0 : i32
    %c0_i32_0 = arith.constant 0 : i32
    %c0_i32_1 = arith.constant 0 : i32
    return %arg0, %c0_i32, %c0_i32_0 : i32, i32, i32
  }
  func.func @transform_1(%arg0: i32) -> (i32, i32) {
    %c0_i32 = arith.constant 0 : i32
    %c0_i32_0 = arith.constant 0 : i32
    return %arg0, %c0_i32 : i32, i32
  }
  func.func @transform_2(%arg0: i32) -> (i32, i32, i32) {
    %c0_i32 = arith.constant 0 : i32
    %c0_i32_0 = arith.constant 0 : i32
    %c0_i32_1 = arith.constant 0 : i32
    return %arg0, %c0_i32, %c0_i32_0 : i32, i32, i32
  }
  func.func @transform_3(%arg0: i32) -> (i32, i32) {
    %c0_i32 = arith.constant 0 : i32
    %c0_i32_0 = arith.constant 0 : i32
    %c0_i32_1 = arith.constant 0 : i32
    return %c0_i32, %c0_i32_0 : i32, i32
  }
  func.func @transform_4(%arg0: i32) -> (i32, i32) {
    %c0_i32 = arith.constant 0 : i32
    %c0_i32_0 = arith.constant 0 : i32
    %c0_i32_1 = arith.constant 0 : i32
    return %c0_i32, %c0_i32_0 : i32, i32
  }
  func.func @transform_5(%arg0: i32) -> (i32, i32) {
    %c0_i32 = arith.constant 0 : i32
    %c0_i32_0 = arith.constant 0 : i32
    %c0_i32_1 = arith.constant 0 : i32
    return %c0_i32, %c0_i32_0 : i32, i32
  }
  func.func @transform_6(%arg0: i32) -> (i32, i32) {
    %c0_i32 = arith.constant 0 : i32
    %c0_i32_0 = arith.constant 0 : i32
    %c0_i32_1 = arith.constant 0 : i32
    return %c0_i32, %c0_i32_0 : i32, i32
  }
}

module attributes {stable_mosaic.version = 14 : i64} {
  func.func @_p2_body(%arg0: i32, %arg1: memref<128x16x256xf32, #tpu.memory_space<vmem>>, %arg2: memref<128x256xf32, #tpu.memory_space<vmem>>, %arg3: memref<128x16x16xf32, #tpu.memory_space<vmem>>, %arg4: memref<16x16xf32, #tpu.memory_space<vmem>>, %arg5: memref<16x256xf32, #tpu.memory_space<vmem>>, %arg6: memref<8x256xf32, #tpu.memory_space<vmem>>, %arg7: memref<8x256xf32, #tpu.memory_space<vmem>>, %arg8: memref<256x32xf32, #tpu.memory_space<vmem>>, %arg9: memref<128x16x32xf32, #tpu.memory_space<vmem>>, %arg10: memref<8x32xf32, #tpu.memory_space<vmem>>) attributes {dimension_semantics = [#tpu.dimension_semantics<arbitrary>], iteration_bounds = array<i64: 80>, scalar_prefetch = 0 : i64, scratch_operands = 0 : i64, tpu.core_type = #tpu.core_type<tc>, window_params = [{transform_indices = @transform_0, window_bounds = array<i64: 128, 16, 256>}, {transform_indices = @transform_1, window_bounds = array<i64: 128, 256>}, {transform_indices = @transform_2, window_bounds = array<i64: 128, 16, 16>}, {pipeline_mode = #tpu.pipeline_mode<synchronous>, transform_indices = @transform_3, window_bounds = array<i64: 16, 16>}, {pipeline_mode = #tpu.pipeline_mode<synchronous>, transform_indices = @transform_4, window_bounds = array<i64: 16, 256>}, {pipeline_mode = #tpu.pipeline_mode<synchronous>, transform_indices = @transform_5, window_bounds = array<i64: 8, 256>}, {pipeline_mode = #tpu.pipeline_mode<synchronous>, transform_indices = @transform_6, window_bounds = array<i64: 8, 256>}, {pipeline_mode = #tpu.pipeline_mode<synchronous>, transform_indices = @transform_7, window_bounds = array<i64: 256, 32>}, {transform_indices = @transform_8, window_bounds = array<i64: 128, 16, 32>}, {pipeline_mode = #tpu.pipeline_mode<synchronous>, transform_indices = @transform_9, window_bounds = array<i64: 8, 32>}]} {
    %eq3A = arith.constant 0 : i32
    %eq3A_0 = arith.cmpi eq, %arg0, %eq3A : i32
    %convert_element_type3A = arith.extui %eq3A_0 : i1 to i32
    %cond3A = arith.constant 0 : i32
    %cond3A_1 = arith.cmpi ne, %convert_element_type3A, %cond3A : i32
    scf.if %cond3A_1 {
      %broadcast_in_dim3A_120 = arith.constant 0.000000e+00 : f32
      %broadcast_in_dim3A_121 = vector.broadcast %broadcast_in_dim3A_120 : f32 to vector<8x32xf32>
      %swap3A_122 = arith.constant 0 : index
      %swap3A_123 = arith.constant 0 : index
      %swap3A_124 = vector.load %arg10[%swap3A_122, %swap3A_123] : memref<8x32xf32, #tpu.memory_space<vmem>>, vector<8x32xf32>
      tpu.vector_store %arg10[%swap3A_122, %swap3A_123], %broadcast_in_dim3A_121 {strides = array<i32>} : memref<8x32xf32, #tpu.memory_space<vmem>>, vector<8x32xf32>,
    } else {
    }
    %get3A = arith.constant 0 : index
    %get3A_2 = arith.constant 0 : index
    %get3A_3 = arith.constant 0 : index
    %get3A_4 = vector.load %arg3[%get3A, %get3A_2, %get3A_3] : memref<128x16x16xf32, #tpu.memory_space<vmem>>, vector<128x16x16xf32>
    %reshape3A = vector.shape_cast %get3A_4 : vector<128x16x16xf32> to vector<2048x16xf32>
    %get3A_5 = arith.constant 0 : index
    %get3A_6 = arith.constant 0 : index
    %get3A_7 = vector.load %arg4[%get3A_5, %get3A_6] : memref<16x16xf32, #tpu.memory_space<vmem>>, vector<16x16xf32>
    %dot_general3A = arith.constant dense<0.000000e+00> : vector<2048x16xf32>
    %dot_general3A_8 = tpu.matmul %reshape3A, %get3A_7, %dot_general3A {dimension_numbers = #tpu.dot_dimension_numbers<[1], [0], [0], [1], [0, 0, 1, 1], [], []>, transpose_lhs_hint = false} : vector<2048x16xf32>, vector<16x16xf32>, vector<2048x16xf32> -> vector<2048x16xf32>
    %get3A_9 = arith.constant 0 : index
    %get3A_10 = arith.constant 0 : index
    %get3A_11 = vector.load %arg6[%get3A_9, %get3A_10] : memref<8x256xf32, #tpu.memory_space<vmem>>, vector<1x16xf32>
    %add3A = vector.broadcast %get3A_11 : vector<1x16xf32> to vector<2048x16xf32>
    %add3A_12 = arith.addf %dot_general3A_8, %add3A : vector<2048x16xf32>
    %max3A = arith.constant 0.000000e+00 : f32
    %max3A_13 = vector.broadcast %max3A : f32 to vector<2048x16xf32>
    %max3A_14 = arith.maximumf %add3A_12, %max3A_13 : vector<2048x16xf32>
    %get3A_15 = arith.constant 0 : index
    %get3A_16 = arith.constant 0 : index
    %get3A_17 = vector.load %arg5[%get3A_15, %get3A_16] : memref<16x256xf32, #tpu.memory_space<vmem>>, vector<16x256xf32>
    %dot_general3A_18 = arith.constant dense<0.000000e+00> : vector<2048x256xf32>
    %dot_general3A_19 = tpu.matmul %max3A_14, %get3A_17, %dot_general3A_18 {dimension_numbers = #tpu.dot_dimension_numbers<[1], [0], [0], [1], [0, 0, 1, 1], [], []>, transpose_lhs_hint = false} : vector<2048x16xf32>, vector<16x256xf32>, vector<2048x256xf32> -> vector<2048x256xf32>
    %get3A_20 = arith.constant 1 : index
    %get3A_21 = arith.constant 0 : index
    %get3A_22 = vector.load %arg6[%get3A_20, %get3A_21] : memref<8x256xf32, #tpu.memory_space<vmem>>, vector<1x256xf32>
    %add3A_23 = vector.broadcast %get3A_22 : vector<1x256xf32> to vector<2048x256xf32>
    %add3A_24 = arith.addf %dot_general3A_19, %add3A_23 : vector<2048x256xf32>
    %get3A_25 = arith.constant 0 : index
    %get3A_26 = arith.constant 0 : index
    %get3A_27 = arith.constant 0 : index
    %get3A_28 = vector.load %arg1[%get3A_25, %get3A_26, %get3A_27] : memref<128x16x256xf32, #tpu.memory_space<vmem>>, vector<128x16x256xf32>
    %reshape3A_29 = vector.shape_cast %get3A_28 : vector<128x16x256xf32> to vector<2048x256xf32>
    %get3A_30 = arith.constant 0 : index
    %get3A_31 = arith.constant 0 : index
    %get3A_32 = vector.load %arg2[%get3A_30, %get3A_31] : memref<128x256xf32, #tpu.memory_space<vmem>>, vector<128x256xf32>
    %broadcast_in_dim3A = vector.shape_cast %get3A_32 : vector<128x256xf32> to vector<128x1x256xf32>
    %broadcast_in_dim3A_33 = vector.shape_cast %broadcast_in_dim3A : vector<128x1x256xf32> to vector<128x1x256xf32>
    %broadcast_in_dim3A_34 = vector.broadcast %broadcast_in_dim3A_33 : vector<128x1x256xf32> to vector<128x16x256xf32>
    %reshape3A_35 = vector.shape_cast %broadcast_in_dim3A_34 : vector<128x16x256xf32> to vector<2048x256xf32>
    %sub3A = arith.subf %reshape3A_29, %reshape3A_35 : vector<2048x256xf32>
    %add3A_36 = arith.addf %sub3A, %add3A_24 : vector<2048x256xf32>
    %get3A_37 = arith.constant 0 : index
    %get3A_38 = arith.constant 0 : index
    %get3A_39 = vector.load %arg7[%get3A_37, %get3A_38] : memref<8x256xf32, #tpu.memory_space<vmem>>, vector<1x256xf32>
    %mul3A = vector.broadcast %get3A_39 : vector<1x256xf32> to vector<2048x256xf32>
    %mul3A_40 = arith.mulf %add3A_36, %mul3A : vector<2048x256xf32>
    %get3A_41 = arith.constant 1 : index
    %get3A_42 = arith.constant 0 : index
    %get3A_43 = vector.load %arg7[%get3A_41, %get3A_42] : memref<8x256xf32, #tpu.memory_space<vmem>>, vector<1x256xf32>
    %add3A_44 = vector.broadcast %get3A_43 : vector<1x256xf32> to vector<2048x256xf32>
    %add3A_45 = arith.addf %mul3A_40, %add3A_44 : vector<2048x256xf32>
    %max3A_46 = arith.constant 0.000000e+00 : f32
    %max3A_47 = vector.broadcast %max3A_46 : f32 to vector<2048x256xf32>
    %max3A_48 = arith.maximumf %add3A_45, %max3A_47 : vector<2048x256xf32>
    %get3A_49 = arith.constant 0 : index
    %get3A_50 = arith.constant 0 : index
    %get3A_51 = vector.load %arg8[%get3A_49, %get3A_50] : memref<256x32xf32, #tpu.memory_space<vmem>>, vector<256x32xf32>
    %dot_general3A_52 = arith.constant dense<0.000000e+00> : vector<2048x32xf32>
    %dot_general3A_53 = tpu.matmul %max3A_48, %get3A_51, %dot_general3A_52 {dimension_numbers = #tpu.dot_dimension_numbers<[1], [0], [0], [1], [0, 0, 1, 1], [], []>, transpose_lhs_hint = false} : vector<2048x256xf32>, vector<256x32xf32>, vector<2048x32xf32> -> vector<2048x32xf32>
    %get3A_54 = arith.constant 2 : index
    %get3A_55 = arith.constant 0 : index
    %get3A_56 = vector.load %arg7[%get3A_54, %get3A_55] : memref<8x256xf32, #tpu.memory_space<vmem>>, vector<1x32xf32>
    %add3A_57 = vector.broadcast %get3A_56 : vector<1x32xf32> to vector<2048x32xf32>
    %add3A_58 = arith.addf %dot_general3A_53, %add3A_57 : vector<2048x32xf32>
    %reshape3A_59 = vector.shape_cast %add3A_58 : vector<2048x32xf32> to vector<128x16x32xf32>
    %swap3A = arith.constant 0 : index
    %swap3A_60 = arith.constant 0 : index
    %swap3A_61 = arith.constant 0 : index
    %swap3A_62 = vector.load %arg9[%swap3A, %swap3A_60, %swap3A_61] : memref<128x16x32xf32, #tpu.memory_space<vmem>>, vector<128x16x32xf32>
    tpu.vector_store %arg9[%swap3A, %swap3A_60, %swap3A_61], %reshape3A_59 {strides = array<i32>} : memref<128x16x32xf32, #tpu.memory_space<vmem>>, vector<128x16x32xf32>,
    %iota3A = tpu.iota {dimensions = array<i32: 0>} : vector<2048x1xi32>
    %jit3A = arith.constant 16 : i32
    %div3A = vector.broadcast %jit3A : i32 to vector<2048x1xi32>
    %div3A_63 = arith.divsi %iota3A, %div3A : vector<2048x1xi32>
    %sign3A = arith.constant 0 : i32
    %sign3A_64 = vector.broadcast %sign3A : i32 to vector<2048x1xi32>
    %sign3A_65 = arith.cmpi sgt, %iota3A, %sign3A_64 : vector<2048x1xi32>
    %sign3A_66 = arith.extui %sign3A_65 : vector<2048x1xi1> to vector<2048x1xi32>
    %sign3A_67 = arith.constant 0 : i32
    %sign3A_68 = vector.broadcast %sign3A_67 : i32 to vector<2048x1xi32>
    %sign3A_69 = arith.cmpi slt, %iota3A, %sign3A_68 : vector<2048x1xi32>
    %sign3A_70 = arith.extui %sign3A_69 : vector<2048x1xi1> to vector<2048x1xi32>
    %sign3A_71 = arith.subi %sign3A_66, %sign3A_70 : vector<2048x1xi32>
    %sign3A_72 = arith.constant 0 : i32
    %sign3A_73 = arith.cmpi sgt, %jit3A, %sign3A_72 : i32
    %sign3A_74 = arith.extui %sign3A_73 : i1 to i32
    %sign3A_75 = arith.constant 0 : i32
    %sign3A_76 = arith.cmpi slt, %jit3A, %sign3A_75 : i32
    %sign3A_77 = arith.extui %sign3A_76 : i1 to i32
    %sign3A_78 = arith.subi %sign3A_74, %sign3A_77 : i32
    %ne3A = vector.broadcast %sign3A_78 : i32 to vector<2048x1xi32>
    %ne3A_79 = arith.cmpi ne, %sign3A_71, %ne3A : vector<2048x1xi32>
    %rem3A = vector.broadcast %jit3A : i32 to vector<2048x1xi32>
    %rem3A_80 = arith.remsi %iota3A, %rem3A : vector<2048x1xi32>
    %ne3A_81 = arith.constant 0 : i32
    %ne3A_82 = vector.broadcast %ne3A_81 : i32 to vector<2048x1xi32>
    %ne3A_83 = arith.cmpi ne, %rem3A_80, %ne3A_82 : vector<2048x1xi32>
    %and3A = arith.andi %ne3A_79, %ne3A_83 : vector<2048x1xi1>
    %sub3A_84 = arith.constant 1 : i32
    %sub3A_85 = vector.broadcast %sub3A_84 : i32 to vector<2048x1xi32>
    %sub3A_86 = arith.subi %div3A_63, %sub3A_85 : vector<2048x1xi32>
    %select_n3A = arith.select %and3A, %sub3A_86, %div3A_63 : vector<2048x1xi1>, vector<2048x1xi32>
    %mul3A_87 = arith.constant 128 : i32
    %mul3A_88 = arith.muli %arg0, %mul3A_87 : i32
    %add3A_89 = vector.broadcast %mul3A_88 : i32 to vector<2048x1xi32>
    %add3A_90 = arith.addi %select_n3A, %add3A_89 : vector<2048x1xi32>
    %lt3A = arith.constant 10000 : i32
    %lt3A_91 = vector.broadcast %lt3A : i32 to vector<2048x1xi32>
    %lt3A_92 = arith.cmpi slt, %add3A_90, %lt3A_91 : vector<2048x1xi32>
    %jit3A_93 = arith.constant 1.000000e+00 : f32
    %jit3A_94 = arith.constant 0.000000e+00 : f32
    %broadcast_in_dim3A_95 = vector.broadcast %jit3A_93 : f32 to vector<2048x1xf32>
    %broadcast_in_dim3A_96 = vector.broadcast %jit3A_94 : f32 to vector<2048x1xf32>
    %select_n3A_97 = arith.select %lt3A_92, %broadcast_in_dim3A_95, %broadcast_in_dim3A_96 : vector<2048x1xi1>, vector<2048x1xf32>
    %mul3A_98 = vector.broadcast %select_n3A_97 : vector<2048x1xf32> to vector<2048x32xf32>
    %mul3A_99 = arith.mulf %add3A_58, %mul3A_98 : vector<2048x32xf32>
    %get3A_100 = arith.constant 0 : index
    %get3A_101 = arith.constant 0 : index
    %get3A_102 = vector.load %arg10[%get3A_100, %get3A_101] : memref<8x32xf32, #tpu.memory_space<vmem>>, vector<1x32xf32>
    %reduce_sum3A = arith.constant dense<0.000000e+00> : vector<32xf32>
    %reduce_sum3A_103 = vector.multi_reduction <add>, %mul3A_99, %reduce_sum3A [0] : vector<2048x32xf32> to vector<32xf32>
    %broadcast_in_dim3A_104 = vector.shape_cast %reduce_sum3A_103 : vector<32xf32> to vector<1x32xf32>
    %add3A_105 = arith.addf %get3A_102, %broadcast_in_dim3A_104 : vector<1x32xf32>
    %swap3A_106 = arith.constant 0 : index
    %swap3A_107 = arith.constant 0 : index
    %swap3A_108 = vector.load %arg10[%swap3A_106, %swap3A_107] : memref<8x32xf32, #tpu.memory_space<vmem>>, vector<1x32xf32>
    tpu.vector_store %arg10[%swap3A_106, %swap3A_107], %add3A_105 {strides = array<i32>} : memref<8x32xf32, #tpu.memory_space<vmem>>, vector<1x32xf32>,
    %get3A_109 = arith.constant 1 : index
    %get3A_110 = arith.constant 0 : index
    %get3A_111 = vector.load %arg10[%get3A_109, %get3A_110] : memref<8x32xf32, #tpu.memory_space<vmem>>, vector<1x32xf32>
    %mul3A_112 = arith.mulf %mul3A_99, %add3A_58 : vector<2048x32xf32>
    %reduce_sum3A_113 = arith.constant dense<0.000000e+00> : vector<32xf32>
    %reduce_sum3A_114 = vector.multi_reduction <add>, %mul3A_112, %reduce_sum3A_113 [0] : vector<2048x32xf32> to vector<32xf32>
    %broadcast_in_dim3A_115 = vector.shape_cast %reduce_sum3A_114 : vector<32xf32> to vector<1x32xf32>
    %add3A_116 = arith.addf %get3A_111, %broadcast_in_dim3A_115 : vector<1x32xf32>
    %swap3A_117 = arith.constant 1 : index
    %swap3A_118 = arith.constant 0 : index
    %swap3A_119 = vector.load %arg10[%swap3A_117, %swap3A_118] : memref<8x32xf32, #tpu.memory_space<vmem>>, vector<1x32xf32>
    tpu.vector_store %arg10[%swap3A_117, %swap3A_118], %add3A_116 {strides = array<i32>} : memref<8x32xf32, #tpu.memory_space<vmem>>, vector<1x32xf32>,
    return
  }
  func.func @transform_0(%arg0: i32) -> (i32, i32, i32) {
    %c0_i32 = arith.constant 0 : i32
    %c0_i32_0 = arith.constant 0 : i32
    %c0_i32_1 = arith.constant 0 : i32
    return %arg0, %c0_i32, %c0_i32_0 : i32, i32, i32
  }
  func.func @transform_1(%arg0: i32) -> (i32, i32) {
    %c0_i32 = arith.constant 0 : i32
    %c0_i32_0 = arith.constant 0 : i32
    return %arg0, %c0_i32 : i32, i32
  }
  func.func @transform_2(%arg0: i32) -> (i32, i32, i32) {
    %c0_i32 = arith.constant 0 : i32
    %c0_i32_0 = arith.constant 0 : i32
    %c0_i32_1 = arith.constant 0 : i32
    return %arg0, %c0_i32, %c0_i32_0 : i32, i32, i32
  }
  func.func @transform_3(%arg0: i32) -> (i32, i32) {
    %c0_i32 = arith.constant 0 : i32
    %c0_i32_0 = arith.constant 0 : i32
    %c0_i32_1 = arith.constant 0 : i32
    return %c0_i32, %c0_i32_0 : i32, i32
  }
  func.func @transform_4(%arg0: i32) -> (i32, i32) {
    %c0_i32 = arith.constant 0 : i32
    %c0_i32_0 = arith.constant 0 : i32
    %c0_i32_1 = arith.constant 0 : i32
    return %c0_i32, %c0_i32_0 : i32, i32
  }
  func.func @transform_5(%arg0: i32) -> (i32, i32) {
    %c0_i32 = arith.constant 0 : i32
    %c0_i32_0 = arith.constant 0 : i32
    %c0_i32_1 = arith.constant 0 : i32
    return %c0_i32, %c0_i32_0 : i32, i32
  }
  func.func @transform_6(%arg0: i32) -> (i32, i32) {
    %c0_i32 = arith.constant 0 : i32
    %c0_i32_0 = arith.constant 0 : i32
    %c0_i32_1 = arith.constant 0 : i32
    return %c0_i32, %c0_i32_0 : i32, i32
  }
  func.func @transform_7(%arg0: i32) -> (i32, i32) {
    %c0_i32 = arith.constant 0 : i32
    %c0_i32_0 = arith.constant 0 : i32
    %c0_i32_1 = arith.constant 0 : i32
    return %c0_i32, %c0_i32_0 : i32, i32
  }
  func.func @transform_8(%arg0: i32) -> (i32, i32, i32) {
    %c0_i32 = arith.constant 0 : i32
    %c0_i32_0 = arith.constant 0 : i32
    %c0_i32_1 = arith.constant 0 : i32
    return %arg0, %c0_i32, %c0_i32_0 : i32, i32, i32
  }
  func.func @transform_9(%arg0: i32) -> (i32, i32) {
    %c0_i32 = arith.constant 0 : i32
    %c0_i32_0 = arith.constant 0 : i32
    %c0_i32_1 = arith.constant 0 : i32
    return %c0_i32, %c0_i32_0 : i32, i32
  }
}

module attributes {stable_mosaic.version = 14 : i64} {
  func.func @_p3_body(%arg0: i32, %arg1: memref<128x16x32xf32, #tpu.memory_space<vmem>>, %arg2: memref<128x16x256xf32, #tpu.memory_space<vmem>>, %arg3: memref<128x16x16xf32, #tpu.memory_space<vmem>>, %arg4: memref<16x16xf32, #tpu.memory_space<vmem>>, %arg5: memref<16x256xf32, #tpu.memory_space<vmem>>, %arg6: memref<8x256xf32, #tpu.memory_space<vmem>>, %arg7: memref<8x32xf32, #tpu.memory_space<vmem>>, %arg8: memref<32x32xf32, #tpu.memory_space<vmem>>, %arg9: memref<128x256xf32, #tpu.memory_space<vmem>>) attributes {dimension_semantics = [#tpu.dimension_semantics<arbitrary>], iteration_bounds = array<i64: 80>, scalar_prefetch = 0 : i64, scratch_operands = 0 : i64, tpu.core_type = #tpu.core_type<tc>, window_params = [{transform_indices = @transform_0, window_bounds = array<i64: 128, 16, 32>}, {transform_indices = @transform_1, window_bounds = array<i64: 128, 16, 256>}, {transform_indices = @transform_2, window_bounds = array<i64: 128, 16, 16>}, {pipeline_mode = #tpu.pipeline_mode<synchronous>, transform_indices = @transform_3, window_bounds = array<i64: 16, 16>}, {pipeline_mode = #tpu.pipeline_mode<synchronous>, transform_indices = @transform_4, window_bounds = array<i64: 16, 256>}, {pipeline_mode = #tpu.pipeline_mode<synchronous>, transform_indices = @transform_5, window_bounds = array<i64: 8, 256>}, {pipeline_mode = #tpu.pipeline_mode<synchronous>, transform_indices = @transform_6, window_bounds = array<i64: 8, 32>}, {pipeline_mode = #tpu.pipeline_mode<synchronous>, transform_indices = @transform_7, window_bounds = array<i64: 32, 32>}, {transform_indices = @transform_8, window_bounds = array<i64: 128, 256>}]} {
    %get3A = arith.constant 0 : index
    %get3A_0 = arith.constant 0 : index
    %get3A_1 = arith.constant 0 : index
    %get3A_2 = vector.load %arg1[%get3A, %get3A_0, %get3A_1] : memref<128x16x32xf32, #tpu.memory_space<vmem>>, vector<128x16x32xf32>
    %reshape3A = vector.shape_cast %get3A_2 : vector<128x16x32xf32> to vector<2048x32xf32>
    %get3A_3 = arith.constant 0 : index
    %get3A_4 = arith.constant 0 : index
    %get3A_5 = vector.load %arg7[%get3A_3, %get3A_4] : memref<8x32xf32, #tpu.memory_space<vmem>>, vector<1x32xf32>
    %mul3A = vector.broadcast %get3A_5 : vector<1x32xf32> to vector<2048x32xf32>
    %mul3A_6 = arith.mulf %reshape3A, %mul3A : vector<2048x32xf32>
    %get3A_7 = arith.constant 1 : index
    %get3A_8 = arith.constant 0 : index
    %get3A_9 = vector.load %arg7[%get3A_7, %get3A_8] : memref<8x32xf32, #tpu.memory_space<vmem>>, vector<1x32xf32>
    %add3A = vector.broadcast %get3A_9 : vector<1x32xf32> to vector<2048x32xf32>
    %add3A_10 = arith.addf %mul3A_6, %add3A : vector<2048x32xf32>
    %max3A = arith.constant 0.000000e+00 : f32
    %max3A_11 = vector.broadcast %max3A : f32 to vector<2048x32xf32>
    %max3A_12 = arith.maximumf %add3A_10, %max3A_11 : vector<2048x32xf32>
    %get3A_13 = arith.constant 0 : index
    %get3A_14 = arith.constant 0 : index
    %get3A_15 = vector.load %arg8[%get3A_13, %get3A_14] : memref<32x32xf32, #tpu.memory_space<vmem>>, vector<32x32xf32>
    %dot_general3A = arith.constant dense<0.000000e+00> : vector<2048x32xf32>
    %dot_general3A_16 = tpu.matmul %max3A_12, %get3A_15, %dot_general3A {dimension_numbers = #tpu.dot_dimension_numbers<[1], [0], [0], [1], [0, 0, 1, 1], [], []>, transpose_lhs_hint = false} : vector<2048x32xf32>, vector<32x32xf32>, vector<2048x32xf32> -> vector<2048x32xf32>
    %get3A_17 = arith.constant 2 : index
    %get3A_18 = arith.constant 0 : index
    %get3A_19 = vector.load %arg7[%get3A_17, %get3A_18] : memref<8x32xf32, #tpu.memory_space<vmem>>, vector<1x32xf32>
    %add3A_20 = vector.broadcast %get3A_19 : vector<1x32xf32> to vector<2048x32xf32>
    %add3A_21 = arith.addf %dot_general3A_16, %add3A_20 : vector<2048x32xf32>
    %reshape3A_22 = vector.shape_cast %add3A_21 : vector<2048x32xf32> to vector<128x16x32xf32>
    %reduce_max3A = arith.constant dense<0xFF800000> : vector<128x32xf32>
    %reduce_max3A_23 = vector.multi_reduction <maximumf>, %reshape3A_22, %reduce_max3A [1] : vector<128x16x32xf32> to vector<128x32xf32>
    %broadcast_in_dim3A = vector.shape_cast %reduce_max3A_23 : vector<128x32xf32> to vector<128x1x32xf32>
    %sub3A = vector.broadcast %broadcast_in_dim3A : vector<128x1x32xf32> to vector<128x16x32xf32>
    %sub3A_24 = arith.subf %reshape3A_22, %sub3A : vector<128x16x32xf32>
    %exp3A = math.exp %sub3A_24 : vector<128x16x32xf32>
    %reduce_sum3A = arith.constant dense<0.000000e+00> : vector<128x32xf32>
    %reduce_sum3A_25 = vector.multi_reduction <add>, %exp3A, %reduce_sum3A [1] : vector<128x16x32xf32> to vector<128x32xf32>
    %broadcast_in_dim3A_26 = vector.shape_cast %reduce_sum3A_25 : vector<128x32xf32> to vector<128x1x32xf32>
    %div3A = vector.broadcast %broadcast_in_dim3A_26 : vector<128x1x32xf32> to vector<128x16x32xf32>
    %div3A_27 = arith.divf %exp3A, %div3A : vector<128x16x32xf32>
    %get3A_28 = arith.constant 0 : index
    %get3A_29 = arith.constant 0 : index
    %get3A_30 = arith.constant 0 : index
    %get3A_31 = vector.load %arg3[%get3A_28, %get3A_29, %get3A_30] : memref<128x16x16xf32, #tpu.memory_space<vmem>>, vector<128x16x16xf32>
    %reshape3A_32 = vector.shape_cast %get3A_31 : vector<128x16x16xf32> to vector<2048x16xf32>
    %get3A_33 = arith.constant 0 : index
    %get3A_34 = arith.constant 0 : index
    %get3A_35 = vector.load %arg4[%get3A_33, %get3A_34] : memref<16x16xf32, #tpu.memory_space<vmem>>, vector<16x16xf32>
    %dot_general3A_36 = arith.constant dense<0.000000e+00> : vector<2048x16xf32>
    %dot_general3A_37 = tpu.matmul %reshape3A_32, %get3A_35, %dot_general3A_36 {dimension_numbers = #tpu.dot_dimension_numbers<[1], [0], [0], [1], [0, 0, 1, 1], [], []>, transpose_lhs_hint = false} : vector<2048x16xf32>, vector<16x16xf32>, vector<2048x16xf32> -> vector<2048x16xf32>
    %get3A_38 = arith.constant 0 : index
    %get3A_39 = arith.constant 0 : index
    %get3A_40 = vector.load %arg6[%get3A_38, %get3A_39] : memref<8x256xf32, #tpu.memory_space<vmem>>, vector<1x16xf32>
    %add3A_41 = vector.broadcast %get3A_40 : vector<1x16xf32> to vector<2048x16xf32>
    %add3A_42 = arith.addf %dot_general3A_37, %add3A_41 : vector<2048x16xf32>
    %max3A_43 = arith.constant 0.000000e+00 : f32
    %max3A_44 = vector.broadcast %max3A_43 : f32 to vector<2048x16xf32>
    %max3A_45 = arith.maximumf %add3A_42, %max3A_44 : vector<2048x16xf32>
    %get3A_46 = arith.constant 0 : index
    %get3A_47 = arith.constant 0 : index
    %get3A_48 = vector.load %arg5[%get3A_46, %get3A_47] : memref<16x256xf32, #tpu.memory_space<vmem>>, vector<16x256xf32>
    %dot_general3A_49 = arith.constant dense<0.000000e+00> : vector<2048x256xf32>
    %dot_general3A_50 = tpu.matmul %max3A_45, %get3A_48, %dot_general3A_49 {dimension_numbers = #tpu.dot_dimension_numbers<[1], [0], [0], [1], [0, 0, 1, 1], [], []>, transpose_lhs_hint = false} : vector<2048x16xf32>, vector<16x256xf32>, vector<2048x256xf32> -> vector<2048x256xf32>
    %get3A_51 = arith.constant 1 : index
    %get3A_52 = arith.constant 0 : index
    %get3A_53 = vector.load %arg6[%get3A_51, %get3A_52] : memref<8x256xf32, #tpu.memory_space<vmem>>, vector<1x256xf32>
    %add3A_54 = vector.broadcast %get3A_53 : vector<1x256xf32> to vector<2048x256xf32>
    %add3A_55 = arith.addf %dot_general3A_50, %add3A_54 : vector<2048x256xf32>
    %get3A_56 = arith.constant 0 : index
    %get3A_57 = arith.constant 0 : index
    %get3A_58 = arith.constant 0 : index
    %get3A_59 = vector.load %arg2[%get3A_56, %get3A_57, %get3A_58] : memref<128x16x256xf32, #tpu.memory_space<vmem>>, vector<128x16x256xf32>
    %reshape3A_60 = vector.shape_cast %add3A_55 : vector<2048x256xf32> to vector<128x16x256xf32>
    %add3A_61 = arith.addf %get3A_59, %reshape3A_60 : vector<128x16x256xf32>
    %slice3A = vector.extract_strided_slice %add3A_61 {offsets = [0, 0, 0], sizes = [128, 16, 32], strides = [1, 1, 1]} : vector<128x16x256xf32> to vector<128x16x32xf32>
    %mul3A_62 = arith.mulf %slice3A, %div3A_27 : vector<128x16x32xf32>
    %reduce_sum3A_63 = arith.constant dense<0.000000e+00> : vector<128x32xf32>
    %reduce_sum3A_64 = vector.multi_reduction <add>, %mul3A_62, %reduce_sum3A_63 [1] : vector<128x16x32xf32> to vector<128x32xf32>
    %swap3A = arith.constant 0 : index
    %swap3A_65 = arith.constant 0 : index
    %swap3A_66 = vector.load %arg9[%swap3A, %swap3A_65] : memref<128x256xf32, #tpu.memory_space<vmem>>, vector<128x32xf32>
    tpu.vector_store %arg9[%swap3A, %swap3A_65], %reduce_sum3A_64 {strides = array<i32>} : memref<128x256xf32, #tpu.memory_space<vmem>>, vector<128x32xf32>,
    %slice3A_67 = vector.extract_strided_slice %add3A_61 {offsets = [0, 0, 32], sizes = [128, 16, 32], strides = [1, 1, 1]} : vector<128x16x256xf32> to vector<128x16x32xf32>
    %mul3A_68 = arith.mulf %slice3A_67, %div3A_27 : vector<128x16x32xf32>
    %reduce_sum3A_69 = arith.constant dense<0.000000e+00> : vector<128x32xf32>
    %reduce_sum3A_70 = vector.multi_reduction <add>, %mul3A_68, %reduce_sum3A_69 [1] : vector<128x16x32xf32> to vector<128x32xf32>
    %swap3A_71 = arith.constant 0 : index
    %swap3A_72 = arith.constant 32 : index
    %swap3A_73 = vector.load %arg9[%swap3A_71, %swap3A_72] : memref<128x256xf32, #tpu.memory_space<vmem>>, vector<128x32xf32>
    tpu.vector_store %arg9[%swap3A_71, %swap3A_72], %reduce_sum3A_70 {strides = array<i32>} : memref<128x256xf32, #tpu.memory_space<vmem>>, vector<128x32xf32>,
    %slice3A_74 = vector.extract_strided_slice %add3A_61 {offsets = [0, 0, 64], sizes = [128, 16, 32], strides = [1, 1, 1]} : vector<128x16x256xf32> to vector<128x16x32xf32>
    %mul3A_75 = arith.mulf %slice3A_74, %div3A_27 : vector<128x16x32xf32>
    %reduce_sum3A_76 = arith.constant dense<0.000000e+00> : vector<128x32xf32>
    %reduce_sum3A_77 = vector.multi_reduction <add>, %mul3A_75, %reduce_sum3A_76 [1] : vector<128x16x32xf32> to vector<128x32xf32>
    %swap3A_78 = arith.constant 0 : index
    %swap3A_79 = arith.constant 64 : index
    %swap3A_80 = vector.load %arg9[%swap3A_78, %swap3A_79] : memref<128x256xf32, #tpu.memory_space<vmem>>, vector<128x32xf32>
    tpu.vector_store %arg9[%swap3A_78, %swap3A_79], %reduce_sum3A_77 {strides = array<i32>} : memref<128x256xf32, #tpu.memory_space<vmem>>, vector<128x32xf32>,
    %slice3A_81 = vector.extract_strided_slice %add3A_61 {offsets = [0, 0, 96], sizes = [128, 16, 32], strides = [1, 1, 1]} : vector<128x16x256xf32> to vector<128x16x32xf32>
    %mul3A_82 = arith.mulf %slice3A_81, %div3A_27 : vector<128x16x32xf32>
    %reduce_sum3A_83 = arith.constant dense<0.000000e+00> : vector<128x32xf32>
    %reduce_sum3A_84 = vector.multi_reduction <add>, %mul3A_82, %reduce_sum3A_83 [1] : vector<128x16x32xf32> to vector<128x32xf32>
    %swap3A_85 = arith.constant 0 : index
    %swap3A_86 = arith.constant 96 : index
    %swap3A_87 = vector.load %arg9[%swap3A_85, %swap3A_86] : memref<128x256xf32, #tpu.memory_space<vmem>>, vector<128x32xf32>
    tpu.vector_store %arg9[%swap3A_85, %swap3A_86], %reduce_sum3A_84 {strides = array<i32>} : memref<128x256xf32, #tpu.memory_space<vmem>>, vector<128x32xf32>,
    %slice3A_88 = vector.extract_strided_slice %add3A_61 {offsets = [0, 0, 128], sizes = [128, 16, 32], strides = [1, 1, 1]} : vector<128x16x256xf32> to vector<128x16x32xf32>
    %mul3A_89 = arith.mulf %slice3A_88, %div3A_27 : vector<128x16x32xf32>
    %reduce_sum3A_90 = arith.constant dense<0.000000e+00> : vector<128x32xf32>
    %reduce_sum3A_91 = vector.multi_reduction <add>, %mul3A_89, %reduce_sum3A_90 [1] : vector<128x16x32xf32> to vector<128x32xf32>
    %swap3A_92 = arith.constant 0 : index
    %swap3A_93 = arith.constant 128 : index
    %swap3A_94 = vector.load %arg9[%swap3A_92, %swap3A_93] : memref<128x256xf32, #tpu.memory_space<vmem>>, vector<128x32xf32>
    tpu.vector_store %arg9[%swap3A_92, %swap3A_93], %reduce_sum3A_91 {strides = array<i32>} : memref<128x256xf32, #tpu.memory_space<vmem>>, vector<128x32xf32>,
    %slice3A_95 = vector.extract_strided_slice %add3A_61 {offsets = [0, 0, 160], sizes = [128, 16, 32], strides = [1, 1, 1]} : vector<128x16x256xf32> to vector<128x16x32xf32>
    %mul3A_96 = arith.mulf %slice3A_95, %div3A_27 : vector<128x16x32xf32>
    %reduce_sum3A_97 = arith.constant dense<0.000000e+00> : vector<128x32xf32>
    %reduce_sum3A_98 = vector.multi_reduction <add>, %mul3A_96, %reduce_sum3A_97 [1] : vector<128x16x32xf32> to vector<128x32xf32>
    %swap3A_99 = arith.constant 0 : index
    %swap3A_100 = arith.constant 160 : index
    %swap3A_101 = vector.load %arg9[%swap3A_99, %swap3A_100] : memref<128x256xf32, #tpu.memory_space<vmem>>, vector<128x32xf32>
    tpu.vector_store %arg9[%swap3A_99, %swap3A_100], %reduce_sum3A_98 {strides = array<i32>} : memref<128x256xf32, #tpu.memory_space<vmem>>, vector<128x32xf32>,
    %slice3A_102 = vector.extract_strided_slice %add3A_61 {offsets = [0, 0, 192], sizes = [128, 16, 32], strides = [1, 1, 1]} : vector<128x16x256xf32> to vector<128x16x32xf32>
    %mul3A_103 = arith.mulf %slice3A_102, %div3A_27 : vector<128x16x32xf32>
    %reduce_sum3A_104 = arith.constant dense<0.000000e+00> : vector<128x32xf32>
    %reduce_sum3A_105 = vector.multi_reduction <add>, %mul3A_103, %reduce_sum3A_104 [1] : vector<128x16x32xf32> to vector<128x32xf32>
    %swap3A_106 = arith.constant 0 : index
    %swap3A_107 = arith.constant 192 : index
    %swap3A_108 = vector.load %arg9[%swap3A_106, %swap3A_107] : memref<128x256xf32, #tpu.memory_space<vmem>>, vector<128x32xf32>
    tpu.vector_store %arg9[%swap3A_106, %swap3A_107], %reduce_sum3A_105 {strides = array<i32>} : memref<128x256xf32, #tpu.memory_space<vmem>>, vector<128x32xf32>,
    %slice3A_109 = vector.extract_strided_slice %add3A_61 {offsets = [0, 0, 224], sizes = [128, 16, 32], strides = [1, 1, 1]} : vector<128x16x256xf32> to vector<128x16x32xf32>
    %mul3A_110 = arith.mulf %slice3A_109, %div3A_27 : vector<128x16x32xf32>
    %reduce_sum3A_111 = arith.constant dense<0.000000e+00> : vector<128x32xf32>
    %reduce_sum3A_112 = vector.multi_reduction <add>, %mul3A_110, %reduce_sum3A_111 [1] : vector<128x16x32xf32> to vector<128x32xf32>
    %swap3A_113 = arith.constant 0 : index
    %swap3A_114 = arith.constant 224 : index
    %swap3A_115 = vector.load %arg9[%swap3A_113, %swap3A_114] : memref<128x256xf32, #tpu.memory_space<vmem>>, vector<128x32xf32>
    tpu.vector_store %arg9[%swap3A_113, %swap3A_114], %reduce_sum3A_112 {strides = array<i32>} : memref<128x256xf32, #tpu.memory_space<vmem>>, vector<128x32xf32>,
    return
  }
  func.func @transform_0(%arg0: i32) -> (i32, i32, i32) {
    %c0_i32 = arith.constant 0 : i32
    %c0_i32_0 = arith.constant 0 : i32
    %c0_i32_1 = arith.constant 0 : i32
    return %arg0, %c0_i32, %c0_i32_0 : i32, i32, i32
  }
  func.func @transform_1(%arg0: i32) -> (i32, i32, i32) {
    %c0_i32 = arith.constant 0 : i32
    %c0_i32_0 = arith.constant 0 : i32
    %c0_i32_1 = arith.constant 0 : i32
    return %arg0, %c0_i32, %c0_i32_0 : i32, i32, i32
  }
  func.func @transform_2(%arg0: i32) -> (i32, i32, i32) {
    %c0_i32 = arith.constant 0 : i32
    %c0_i32_0 = arith.constant 0 : i32
    %c0_i32_1 = arith.constant 0 : i32
    return %arg0, %c0_i32, %c0_i32_0 : i32, i32, i32
  }
  func.func @transform_3(%arg0: i32) -> (i32, i32) {
    %c0_i32 = arith.constant 0 : i32
    %c0_i32_0 = arith.constant 0 : i32
    %c0_i32_1 = arith.constant 0 : i32
    return %c0_i32, %c0_i32_0 : i32, i32
  }
  func.func @transform_4(%arg0: i32) -> (i32, i32) {
    %c0_i32 = arith.constant 0 : i32
    %c0_i32_0 = arith.constant 0 : i32
    %c0_i32_1 = arith.constant 0 : i32
    return %c0_i32, %c0_i32_0 : i32, i32
  }
  func.func @transform_5(%arg0: i32) -> (i32, i32) {
    %c0_i32 = arith.constant 0 : i32
    %c0_i32_0 = arith.constant 0 : i32
    %c0_i32_1 = arith.constant 0 : i32
    return %c0_i32, %c0_i32_0 : i32, i32
  }
  func.func @transform_6(%arg0: i32) -> (i32, i32) {
    %c0_i32 = arith.constant 0 : i32
    %c0_i32_0 = arith.constant 0 : i32
    %c0_i32_1 = arith.constant 0 : i32
    return %c0_i32, %c0_i32_0 : i32, i32
  }
  func.func @transform_7(%arg0: i32) -> (i32, i32) {
    %c0_i32 = arith.constant 0 : i32
    %c0_i32_0 = arith.constant 0 : i32
    %c0_i32_1 = arith.constant 0 : i32
    return %c0_i32, %c0_i32_0 : i32, i32
  }
  func.func @transform_8(%arg0: i32) -> (i32, i32) {
    %c0_i32 = arith.constant 0 : i32
    %c0_i32_0 = arith.constant 0 : i32
    return %arg0, %c0_i32 : i32, i32
  }
}

</mosaic_0001>

<sc_bundles>
// kernel: kernel.9.cloned.1.call-start
scs
__scs_entry_jumppad:
0x0: {  	(pc) =	sbr.rel $0x88, $3  }
0x1: {  	(tag) =	ssettag $0x0;
	lr =	simm.s32 $0x1  }
0x2: {  	[smem:$0x3F8B] =	sst lr;
	_ =	strace $0xD0000000  }
0x3: {  	_ = 	snop  }
0x4: {  	_ = 	snop  }
0x5: {  	_ = 	snop  }
0x6: {  	_ = 	snop  }
0x7: {  	_ = 	snop  }
__scs_overlays_trampoline_lowered:
0x8: {  	[smem:$0x3F9A] =	sst s0  }
0x9: {  	[smem:$0x3F9B] =	sst s1  }
0xa: {  	[smem:$0x3F9C] =	sst s2  }
0xb: {  	[smem:$0x3F9D] =	sst s3  }
0xc: {  	[smem:$0x3F9E] =	sst s4  }
0xd: {  	[smem:$0x3F9F] =	sst s5  }
0xe: {  	[smem:$0x3FA0] =	sst s6  }
0xf: {  	[smem:$0x3FA1] =	sst s7  }
0x10: {  	[smem:$0x3FA2] =	sst s8  }
0x11: {  	[smem:$0x3FA3] =	sst s9;
	s0 =	simm.s32 @!p0 $0x0  }
0x12: {  	s1 =	sld [smem:$0x3F89];
	s0 =	simm.s32 @p0 $0x1  }
0x13: {  	[smem:$0x3FA4] =	sst s0;
	s0 =	simm.s32 @!p1 $0x0  }
0x14: {  	s2 =	sld [smem:$0x3F88];
	s0 =	simm.s32 @p1 $0x1  }
0x15: {  	[smem:$0x3FA5] =	sst s0;
	s0 =	simm.s32 @!p2 $0x0  }
0x16: {  	s3 =	sld [smem:$0x3FDB];
	s0 =	simm.s32 @p2 $0x1  }
0x17: {  	s4 =	simm.s32 $0x1BF5;
	[smem:$0x3FA7] =	sst s0  }
0x18: {  	s0 =	sld [smem:$0x3F8A];
	_ =	swait.ge [sflag:s4], $0x0  }
0x19: {  	s7 =	sld [smem:$0x3F8B]  }
0x1a: {  	s8 =	sadd.s32 $0xFFFFE003, lr  }
0x1b: {  	s9 =	sadd.s32 $0xFFFFFEF7, lr;
	s5 =	simm.s32 $0xFFFFFFFF;
	p2 =	slt.u32 s8, $0xFFFFF086  }
0x1c: {  	p1 =	slt.u32 s9, $0xF7A;
	s5 =	simm.s32 @!p2 $0x0  }
0x1d: {  	s5 =	simm.s32 @p1 $0x1;
	p0 =	seq.s32 s7, s2  }
0x1e: {  	s7 =	smul.u32 @!p0 $0xF7A, s2;
	p2 =	seq.s32 @!p0 s5, $0x0  }
0x1f: {  	s9 =	smul.u32 $0xF7A, s1;
	s8 =	simm.s32 @!p0 $0x1BF5;
	p2 =	por !p2, p0  }
0x20: {  	[sflag:s8] =	ssyncset.s32 @!p0 $0xFFFFF086;
	s6 =	sadd.s32 @!p0 s3, s7;
	s7 =	simm.s32 @!p0 $0x108  }
0x21: {  	s3 =	sadd.s32 s3, s9;
	s6 =	sadd.s32 @!p0 $0x88, s6;
	s7 =	simm.s32 @p2 $0x1082  }
0x22: {  	[simem:s7], [sflag:s8] =	dma.local @!p0 [hbm:s6], $0xF7A  }
0x23: {  	s9 =	sor.u32 $0xD0000000, s2;
	s6 =	simm.s32 $0x108;
	_ =	swait.ge @!p0 [sflag:s8], $0x0  }
0x24: {  	s3 =	sadd.s32 $0x88, s3;
	s6 =	simm.s32 @!p1 $0x1082;
	[sflag:s4] =	ssyncset.s32 $0xFFFFF086  }
0x25: {  	[simem:s6], [sflag:s4] =	dma.local [hbm:s3], $0xF7A  }
0x26: {  	[smem:$0x3F8B] =	sst s1;
	(tag) =	ssettag s2;
	_ =	strace s9  }
0x27: {  	s1 =	sld [smem:$0x3F9B]  }
0x28: {  	s2 =	sld [smem:$0x3F9C]  }
0x29: {  	s4 =	sld [smem:$0x3F9E]  }
0x2a: {  	p0 =	seq.s32 s5, $0x0;
	s5 =	sld [smem:$0x3F9F]  }
0x2b: {  	s6 =	sld [smem:$0x3FA0]  }
0x2c: {  	s7 =	sld [smem:$0x3FA1]  }
0x2d: {  	s3 =	simm.s32 $0x108;
	s8 =	sld [smem:$0x3FA2]  }
0x2e: {  	s3 =	simm.s32 @!p0 $0x1082;
	s9 =	sld [smem:$0x3FA3]  }
0x2f: {  	lr =	sadd.s32 s0, s3;
	s0 =	sld [smem:$0x3F9A]  }
0x30: {  	s3 =	sld [smem:$0x3F9D]  }
0x31: {  	[smem:$0x3FA6] =	sst s10  }
0x32: {  	s10 =	sld [smem:$0x3FA4];
	_ =	sdelay $0x3  }
0x33: {  	p0 =	seq.s32 s10, $0x1;
	s10 =	sld [smem:$0x3FA6];
	_ =	sdelay $0x3  }
0x34: {  	[smem:$0x3FA6] =	sst s10  }
0x35: {  	s10 =	sld [smem:$0x3FA5];
	_ =	sdelay $0x3  }
0x36: {  	p1 =	seq.s32 s10, $0x1;
	s10 =	sld [smem:$0x3FA6];
	_ =	sdelay $0x3  }
0x37: {  	[smem:$0x3FA6] =	sst s10  }
0x38: {  	s10 =	sld [smem:$0x3FA7]  }
0x39: {  	_ = 	snop;
	(pc) =	sbr.ind lr, $3  }
0x3a: {  	_ = 	snop  }
0x3b: {  	_ = 	snop  }
0x3c: {  	p2 =	seq.s32 s10, $0x1;
	s10 =	sld [smem:$0x3FA6]  }
0x3d: {  	_ =	shalt  }
0x3e: {  	_ =	shalt  }
0x3f: {  	_ =	shalt  }
0x40: {  	_ =	shalt  }
0x41: {  	_ =	shalt  }
0x42: {  	_ =	shalt  }
0x43: {  	_ =	shalt  }
0x44: {  	_ =	shalt  }
0x45: {  	_ =	shalt  }
0x46: {  	_ =	shalt  }
0x47: {  	_ =	shalt  }
0x48: {  	_ =	shalt  }
0x49: {  	_ =	shalt  }
0x4a: {  	_ =	shalt  }
0x4b: {  	_ =	shalt  }
0x4c: {  	_ =	shalt  }
0x4d: {  	_ =	shalt  }
0x4e: {  	_ =	shalt  }
0x4f: {  	_ =	shalt  }
0x50: {  	_ =	shalt  }
0x51: {  	_ =	shalt  }
0x52: {  	_ =	shalt  }
0x53: {  	_ =	shalt  }
0x54: {  	_ =	shalt  }
0x55: {  	_ =	shalt  }
0x56: {  	_ =	shalt  }
0x57: {  	_ =	shalt  }
0x58: {  	_ =	shalt  }
0x59: {  	_ =	shalt  }
0x5a: {  	_ =	shalt  }
0x5b: {  	_ =	shalt  }
0x5c: {  	_ =	shalt  }
0x5d: {  	_ =	shalt  }
0x5e: {  	_ =	shalt  }
0x5f: {  	_ =	shalt  }
0x60: {  	_ =	shalt  }
0x61: {  	_ =	shalt  }
0x62: {  	_ =	shalt  }
0x63: {  	_ =	shalt  }
0x64: {  	_ =	shalt  }
0x65: {  	_ =	shalt  }
0x66: {  	_ =	shalt  }
0x67: {  	_ =	shalt  }
0x68: {  	_ =	shalt  }
0x69: {  	_ =	shalt  }
0x6a: {  	_ =	shalt  }
0x6b: {  	_ =	shalt  }
0x6c: {  	_ =	shalt  }
0x6d: {  	_ =	shalt  }
0x6e: {  	_ =	shalt  }
0x6f: {  	_ =	shalt  }
0x70: {  	_ =	shalt  }
0x71: {  	_ =	shalt  }
0x72: {  	_ =	shalt  }
0x73: {  	_ =	shalt  }
0x74: {  	_ =	shalt  }
0x75: {  	_ =	shalt  }
0x76: {  	_ =	shalt  }
0x77: {  	_ =	shalt  }
0x78: {  	_ =	shalt  }
0x79: {  	_ =	shalt  }
0x7a: {  	_ =	shalt  }
0x7b: {  	_ =	shalt  }
0x7c: {  	_ =	shalt  }
0x7d: {  	_ =	shalt  }
0x7e: {  	_ =	shalt  }
0x7f: {  	_ =	shalt  }
0x80: {  	_ =	shalt  }
0x81: {  	_ =	shalt  }
0x82: {  	_ =	shalt  }
0x83: {  	_ =	shalt  }
0x84: {  	_ =	shalt  }
0x85: {  	_ =	shalt  }
0x86: {  	_ =	shalt  }
0x87: {  	_ =	shalt  }
.Lfunc_end0:
.L_simem_size_0:
called_computation_lowered:
.L_overlay_start_0:
0x88: {  	s2 =	sld [smem:$0x3FD9]  }
0x89: {  	s3 =	sld [smem:$0x3FFE];
	_ =	sdelay $0x1  }
0x8a: {  	s1 =	srdreg.scid  }
0x8b: {  	s0 =	sand.u32 $0x1, s1  }
0x8c: {  	s17 =	sshll.u32 s0, $0xA;
	s2 =	sadd.s32 s3, s2  }
0x8d: {  	s2 =	sadd.s32 s2, s17  }
0x8e: {  	[smem:$0x3FB2] =	sst s2  }
0x8f: {  	_ = 	snop  }
0x90: {  	s2 =	sld [smem:$0x3FD0];
	(tm) =	ssettm $0x1  }
0x91: {  	s18 =	sld [smem:$0x3FFB];
	_ =	sdelay $0x3  }
0x92: {  	_ =	strace s18  }
0x93: {  	s3 =	sld [smem:$0x3FFC];
	_ =	sdelay $0x3  }
0x94: {  	_ =	strace s3  }
0x95: {  	s3 =	sld [smem:$0x3FFD];
	_ =	sdelay $0x3  }
0x96: {  	_ =	strace s3  }
0x97: {  	_ =	strace $0x8FFFFFFF  }
0x98: {  	s19 =	sld [smem:$0x3FDB];
	_ =	sdelay $0x1  }
0x99: {  	s4 =	simm.s32 $_scs_section_size  }
0x9a: {  	s5 =	simm.s32 $_size__tile_overlayer_lowered;
	s6 =	simm.s32 $_tile_overlayer_lowered  }
0x9b: {  	s22 =	simm.s32 $0x1BFF;
	s21 =	sshll.u32 s6, $0x1;
	s3 =	sadd.s32 s4, s19  }
0x9c: {  	s7 =	simm.s32 $0x0;
	s20 =	sshll.u32 s5, $0x1;
	s5 =	sadd.s32 s21, s3  }
0x9d: {  	[timem:s7], [sflag:s22] =	dma.local [hbm:s5], s20  }
0x9e: {  	_ =	swait.ge [sflag:s22], s20  }
0x9f: {  	s4 =	ssub.s32 $0x0, s20;
	[sflag:s22] =	ssyncset.done $0x0  }
0xa0: {  	[sflag:s22] =	ssyncadd.s32 s4;
	_ =	sdelay $0x1  }
0xa1: {  	s23 =	simm.s32 $0x1B8B  }
0xa2: {  	_ =	swait.ge [sflag:s23], $0x1  }
0xa3: {  	[sflag:s23] =	ssyncset.done $0x0  }
0xa4: {  	s25 =	simm.s32 $0x1B8E;
	s24 =	sld [smem:$0x3FFE];
	[sflag:s23] =	ssyncadd.s32 $0xFFFFFFFF  }
0xa5: {  	s26 =	simm.s32 $execute0_lowered;
	[smem:$0x3FD2] =	sst s25  }
0xa6: {  	s5 =	sshll.u32 s26, $0x1;
	_ =	strace $0x80000046;
	[dreg:$0x1] =	wrdreg $0xFFFFFFFF  }
0xa7: {  	s28 =	simm.s32 $_size_execute0_lowered;
	s3 =	sadd.s32 s3, s5;
	[dreg:$0x0] =	wrdreg $0x0  }
0xa8: {  	s5 =	sshll.u32 s28, $0x1;
	[dreg:$0x2] =	wrdreg s3  }
0xa9: {  	[dreg:$0x3] =	wrdreg s5  }
0xaa: {  	[dreg:$0x4] =	wrdreg $0xC0  }
0xab: {  	_ =	task [dreg:s7], $0x5FFFF  }
0xac: {  	[dreg:$0x1] =	wrdreg $0xFFFFFFFF  }
0xad: {  	[dreg:$0x0] =	wrdreg $0x60  }
0xae: {  	[dreg:$0x2] =	wrdreg s24  }
0xaf: {  	[dreg:$0x3] =	wrdreg s2  }
0xb0: {  	[dreg:$0x4] =	wrdreg $0x9  }
0xb1: {  	_ =	task.clear_ibuf [dreg:s7], $0x5FFFF;
	_ =	strace $0x90000046  }
0xb2: {  	s29 =	simm.s32 $0x9;
	_ =	strace $0x80000048  }
0xb3: {  	_ =	swait.ge [sflag:s29], $0x1  }
0xb4: {  	[sflag:s29] =	ssyncadd.s32 $0xFFFFFFFF  }
0xb5: {  	_ =	strace $0x90000048  }
0xb6: {  	_ =	sfence  }
0xb7: {  	s30 =	sld [smem:$0x0];
	_ =	sdelay $0x2  }
0xb8: {  	s31 =	sshll.u32 s1, $0xD;
	s1 =	sshrl.u32 s1, $0x2  }
0xb9: {  	s3 =	sand.u32 $0x4000, s31;
	s1 =	sadd.s32 s1, s30  }
0xba: {  	s0 =	sor.u32 s3, s0;
	s1 =	sshll.u32 s1, $0x11  }
0xbb: {  	s0 =	sor.u32 s1, s0  }
0xbc: {  	s0 =	sadd.s32 $0x8F2B, s0  }
0xbd: {  	[sflag:s0] =	ssyncadd.remote.s32 $0x1  }
0xbe: {  	_ =	sfence.sel $0xFFFF  }
0xbf: {  	[dreg:$0x0] =	wrdreg $0xFFFFFFFF;
	(pc) =	sbr.abs _section_cstart, $3  }
0xc0: {  	[dreg:$0x1] =	wrdreg $0xFFFFFFFF  }
0xc1: {  	_ =	task.clear_ibuf [dreg:s7], $0x2FFFF;
	_ =	strace $0x9FFFFFFF  }
0xc2: {  	(tm) =	ssettm $0x7FFFFFFF  }
0xc3: {  	_ =	shalt  }
tec
execute0_lowered:
.L_overlay_start_1:
0x0: {  	(tag) =	ssettag $0x1  }
0x1: {  	s1 =	rddreg [dreg:$0x0]  }
0x2: {  	s2 =	srdreg.scid;
	s3 =	rddreg [dreg:$0x1]  }
0x3: {  	s5 =	sand.u32 $0x1, s2;
	[dreg:$0x3] =	wrdreg s3;
	s2 =	simm.s32 $0x0  }
0x4: {  	s0 =	stileid.u32;
	s8 =	simm.s32 $0x880;
	[smem:$0x7FF] =	sst s2  }
0x5: {  	s9 =	simm.s32 $0x1880;
	_ =	strace $0x80000047;
	[dreg:$0x6] =	wrdreg s8  }
0x6: {  	s10 =	simm.s32 $0x2080;
	s11 =	simm.s32 $0x2880;
	[dreg:$0x8] =	wrdreg s9  }
0x7: {  	s13 =	simm.s32 $0x3080;
	s14 =	simm.s32 $0x3880;
	[dreg:$0x9] =	wrdreg s10  }
0x8: {  	s15 =	simm.s32 $0x4080;
	s17 =	simm.s32 $0x4880;
	[dreg:$0xa] =	wrdreg s11  }
0x9: {  	s19 =	simm.s32 $0x5080;
	s20 =	simm.s32 $0x5880;
	[dreg:$0xb] =	wrdreg s13  }
0xa: {  	s22 =	simm.s32 $0x6080;
	s24 =	simm.s32 $0x6880;
	[dreg:$0xc] =	wrdreg s14  }
0xb: {  	s25 =	simm.s32 $0x7080;
	s4 =	smul.u32 $0x50000, s0;
	[dreg:$0xd] =	wrdreg s15  }
0xc: {  	s26 =	simm.s32 $0x7880;
	s31 =	smul.u32 $0x2800, s0;
	[dreg:$0xe] =	wrdreg s17  }
0xd: {  	s28 =	simm.s32 $0x3;
	s12 =	smul.u32 $0x28000, s0;
	[dreg:$0xf] =	wrdreg s19  }
0xe: {  	s29 =	simm.s32 $0x0;
	s30 =	smul.u32 $0x28000, s5;
	[dreg:$0x10] =	wrdreg s20  }
0xf: {  	s3 =	sadd.s32 $0x4000, s1;
	s7 =	smul.u32 $0x1400, s5;
	[dreg:$0x11] =	wrdreg s22  }
0x10: {  	s16 =	ssub.s32 $0x2, s5;
	s21 =	smul.u32 $0x14000, s5;
	[dreg:$0x12] =	wrdreg s24  }
0x11: {  	s4 =	sadd.s32 s4, s1;
	s8 =	simm.s32 $0x1080;
	[dreg:$0x13] =	wrdreg s25  }
0x12: {  	s18 =	sshrl.u32 s16, $0x1;
	[dreg:$0x14] =	wrdreg s26;
	s10 =	simm.s32 $0x8080  }
0x13: {  	s11 =	simm.s32 $0x9880;
	s13 =	simm.s32 $0xA880;
	s14 =	simm.s32 $0xB080  }
0x14: {  	s15 =	simm.s32 $0xB880;
	s17 =	simm.s32 $0xC880;
	s19 =	simm.s32 $0xD880  }
0x15: {  	s20 =	simm.s32 $0xE080;
	s22 =	simm.s32 $0xF080;
	s24 =	simm.s32 $0x10080  }
0x16: {  	s4 =	sadd.s32 s30, s4;
	[dreg:$0x7] =	wrdreg s8;
	s30 =	simm.s32 $0x8880  }
0x17: {  	s25 =	simm.s32 $0x1;
	s6 =	sadd.s32 $0x329000, s4;
	[dreg:$0x15] =	wrdreg s30  }
0x18: {  	s26 =	simm.s32 $0x2;
	s4 =	sadd.s32 $0x829000, s4;
	[dreg:$0x4] =	wrdreg s6  }
0x19: {  	s8 =	simm.s32 $0x4;
	[dreg:$0x5] =	wrdreg s4;
	s4 =	sadd.s32 $0x59000, s1  }
0x1a: {  	s6 =	sadd.s32 s7, s31;
	s7 =	ssub.s32 s16, s18;
	s31 =	simm.s32 $0x9080  }
0x1b: {  	s16 =	simm.s32 $0xC080;
	s18 =	simm.s32 $0xD080;
	s6 =	sshrl.u32 s6, $0x3  }
0x1c: {  	s23 =	smax.u32 s7, $0x1;
	[dreg:$0x16] =	wrdreg s31;
	s9 =	sadd.s32 s6, s1  }
0x1d: {  	v2 =	vlaneseq.u32;
	s1 =	sadd.s32 s12, s1;
	[dreg:$0x17] =	wrdreg s23;
	s12 =	simm.s32 $0xA080  }
0x1e: {  	vm0 =	vmmov $0xffff;
	v1 =	vshrl.u32 v2, $0x3;
	s23 =	simm.s32 $0xF880;
	s1 =	sadd.s32 s21, s1;
	s7 =	sadd.s32 $0x54000, s9  }
0x1f: {  	v0 =	vand.u32 $0x7, v2;
	v2 =	vor.u32 $0x8, v2;
	v1 =	vmul.u32 $0x8, v1;
	s9 =	simm.s32 $0x80;
	s21 =	simm.s32 $0xE880;
	s6 =	sadd.s32 $0xA9000, s1  }
.LBB2_1:
0x20: {  	s30 =	smov.u32 s7;
	s31 =	smov.u32 s6;
	s1 =	simm.s32 $0x0  }
.LBB2_2:
0x21: {  	[tilespmem:s2], [sflag:$0x4] =	stream.linear.gather [hbm4b:s30+s2], $0x80, $0x38;
	[tilespmem:$0x14080] =	vst v63  }
0x22: {  	_ =	swait.ge [sflag:s8], $0x80  }
0x23: {  	[sflag:s8] =	ssyncset.done $0x0  }
0x24: {  	[sflag:s8] =	ssyncadd.s32 $0xFFFFFF80  }
0x25: {  	v3 =	vld [tilespmem:$0x0];
	_ =	sdelay $0x4  }
0x26: {  	v4 =	vshll.u32 v3, $0x1  }
0x27: {  	v3 =	vand.u32 $0x7, v3;
	v4 =	vand.u32 $0xFFFFFFF0, v4  }
0x28: {  	v3 =	vor.u32 v3, v4  }
0x29: {  	v4 =	vperm.xlane v3, v0;
	_ =	sdelay $0x1  }
0x2a: {  	v3 =	vperm.xlane v3, v2;
	v4 =	vadd.s32 v1, v4;
	_ =	sdelay $0x1  }
0x2b: {  	v3 =	vadd.s32 v1, v3;
	_ =	sdelay $0x2  }
0x2c: {  	[tilespmem:s9], [sflag:$0x1] =	stream.indirect_vreg.gather [hbm4b:s3+s2], $0x80, v4, vm0, $0xb8;
	[tilespmem:$0x14080] =	vst v63  }
0x2d: {  	s0 =	rddreg [dreg:$0x6]  }
0x2e: {  	[tilespmem:s0], [sflag:$0x1] =	stream.indirect_vreg.gather [hbm4b:s3+s2], $0x80, v3, vm0, $0xb8;
	[tilespmem:$0x14080] =	vst v63  }
0x2f: {  	v3 =	vld [tilespmem:$0x10];
	_ =	sdelay $0x4  }
0x30: {  	v49 =	vshll.u32 v3, $0x1  }
0x31: {  	v3 =	vand.u32 $0x7, v3;
	v4 =	vand.u32 $0xFFFFFFF0, v49  }
0x32: {  	v3 =	vor.u32 v3, v4  }
0x33: {  	v4 =	vperm.xlane v3, v0;
	_ =	sdelay $0x1  }
0x34: {  	v3 =	vperm.xlane v3, v2;
	v4 =	vadd.s32 v1, v4;
	_ =	sdelay $0x1  }
0x35: {  	v3 =	vadd.s32 v1, v3;
	_ =	sdelay $0x1  }
0x36: {  	s0 =	rddreg [dreg:$0x7]  }
0x37: {  	[tilespmem:s0], [sflag:$0x1] =	stream.indirect_vreg.gather [hbm4b:s3+s2], $0x80, v4, vm0, $0xb8;
	[tilespmem:$0x14080] =	vst v63  }
0x38: {  	s5 =	rddreg [dreg:$0x8]  }
0x39: {  	[tilespmem:s5], [sflag:$0x1] =	stream.indirect_vreg.gather [hbm4b:s3+s2], $0x80, v3, vm0, $0xb8;
	[tilespmem:$0x14080] =	vst v63  }
0x3a: {  	v3 =	vld [tilespmem:$0x20];
	_ =	sdelay $0x4  }
0x3b: {  	v50 =	vshll.u32 v3, $0x1  }
0x3c: {  	v3 =	vand.u32 $0x7, v3;
	v4 =	vand.u32 $0xFFFFFFF0, v50  }
0x3d: {  	v3 =	vor.u32 v3, v4  }
0x3e: {  	v4 =	vperm.xlane v3, v0;
	_ =	sdelay $0x1  }
0x3f: {  	v3 =	vperm.xlane v3, v2;
	v4 =	vadd.s32 v1, v4;
	_ =	sdelay $0x1  }
0x40: {  	v3 =	vadd.s32 v1, v3;
	_ =	sdelay $0x1  }
0x41: {  	s0 =	rddreg [dreg:$0x9]  }
0x42: {  	[tilespmem:s0], [sflag:$0x1] =	stream.indirect_vreg.gather [hbm4b:s3+s2], $0x80, v4, vm0, $0xb8;
	[tilespmem:$0x14080] =	vst v63  }
0x43: {  	s5 =	rddreg [dreg:$0xa]  }
0x44: {  	[tilespmem:s5], [sflag:$0x1] =	stream.indirect_vreg.gather [hbm4b:s3+s2], $0x80, v3, vm0, $0xb8;
	[tilespmem:$0x14080] =	vst v63  }
0x45: {  	v3 =	vld [tilespmem:$0x30];
	_ =	sdelay $0x4  }
0x46: {  	v51 =	vshll.u32 v3, $0x1  }
0x47: {  	v3 =	vand.u32 $0x7, v3;
	v4 =	vand.u32 $0xFFFFFFF0, v51  }
0x48: {  	v3 =	vor.u32 v3, v4  }
0x49: {  	v4 =	vperm.xlane v3, v0;
	_ =	sdelay $0x1  }
0x4a: {  	v3 =	vperm.xlane v3, v2;
	v4 =	vadd.s32 v1, v4;
	_ =	sdelay $0x1  }
0x4b: {  	v3 =	vadd.s32 v1, v3;
	_ =	sdelay $0x1  }
0x4c: {  	s0 =	rddreg [dreg:$0xb]  }
0x4d: {  	[tilespmem:s0], [sflag:$0x1] =	stream.indirect_vreg.gather [hbm4b:s3+s2], $0x80, v4, vm0, $0xb8;
	[tilespmem:$0x14080] =	vst v63  }
0x4e: {  	s5 =	rddreg [dreg:$0xc]  }
0x4f: {  	[tilespmem:s5], [sflag:$0x1] =	stream.indirect_vreg.gather [hbm4b:s3+s2], $0x80, v3, vm0, $0xb8;
	[tilespmem:$0x14080] =	vst v63  }
0x50: {  	v3 =	vld [tilespmem:$0x40];
	_ =	sdelay $0x4  }
0x51: {  	v52 =	vshll.u32 v3, $0x1  }
0x52: {  	v3 =	vand.u32 $0x7, v3;
	v4 =	vand.u32 $0xFFFFFFF0, v52  }
0x53: {  	v3 =	vor.u32 v3, v4  }
0x54: {  	v4 =	vperm.xlane v3, v0;
	_ =	sdelay $0x1  }
0x55: {  	v3 =	vperm.xlane v3, v2;
	v4 =	vadd.s32 v1, v4;
	_ =	sdelay $0x1  }
0x56: {  	v3 =	vadd.s32 v1, v3;
	_ =	sdelay $0x1  }
0x57: {  	s0 =	rddreg [dreg:$0xd]  }
0x58: {  	[tilespmem:s0], [sflag:$0x1] =	stream.indirect_vreg.gather [hbm4b:s3+s2], $0x80, v4, vm0, $0xb8;
	[tilespmem:$0x14080] =	vst v63  }
0x59: {  	s5 =	rddreg [dreg:$0xe]  }
0x5a: {  	[tilespmem:s5], [sflag:$0x1] =	stream.indirect_vreg.gather [hbm4b:s3+s2], $0x80, v3, vm0, $0xb8;
	[tilespmem:$0x14080] =	vst v63  }
0x5b: {  	v3 =	vld [tilespmem:$0x50];
	_ =	sdelay $0x4  }
0x5c: {  	v53 =	vshll.u32 v3, $0x1  }
0x5d: {  	v3 =	vand.u32 $0x7, v3;
	v4 =	vand.u32 $0xFFFFFFF0, v53  }
0x5e: {  	v3 =	vor.u32 v3, v4  }
0x5f: {  	v4 =	vperm.xlane v3, v0;
	_ =	sdelay $0x1  }
0x60: {  	v3 =	vperm.xlane v3, v2;
	v4 =	vadd.s32 v1, v4;
	_ =	sdelay $0x1  }
0x61: {  	v3 =	vadd.s32 v1, v3;
	_ =	sdelay $0x1  }
0x62: {  	s0 =	rddreg [dreg:$0xf]  }
0x63: {  	[tilespmem:s0], [sflag:$0x1] =	stream.indirect_vreg.gather [hbm4b:s3+s2], $0x80, v4, vm0, $0xb8;
	[tilespmem:$0x14080] =	vst v63  }
0x64: {  	s5 =	rddreg [dreg:$0x10]  }
0x65: {  	[tilespmem:s5], [sflag:$0x1] =	stream.indirect_vreg.gather [hbm4b:s3+s2], $0x80, v3, vm0, $0xb8;
	[tilespmem:$0x14080] =	vst v63  }
0x66: {  	v3 =	vld [tilespmem:$0x60];
	_ =	sdelay $0x4  }
0x67: {  	v54 =	vshll.u32 v3, $0x1  }
0x68: {  	v3 =	vand.u32 $0x7, v3;
	v4 =	vand.u32 $0xFFFFFFF0, v54  }
0x69: {  	v3 =	vor.u32 v3, v4  }
0x6a: {  	v4 =	vperm.xlane v3, v0;
	_ =	sdelay $0x1  }
0x6b: {  	v3 =	vperm.xlane v3, v2;
	v4 =	vadd.s32 v1, v4;
	_ =	sdelay $0x1  }
0x6c: {  	v3 =	vadd.s32 v1, v3;
	_ =	sdelay $0x1  }
0x6d: {  	s0 =	rddreg [dreg:$0x11]  }
0x6e: {  	[tilespmem:s0], [sflag:$0x1] =	stream.indirect_vreg.gather [hbm4b:s3+s2], $0x80, v4, vm0, $0xb8;
	[tilespmem:$0x14080] =	vst v63  }
0x6f: {  	s5 =	rddreg [dreg:$0x12]  }
0x70: {  	[tilespmem:s5], [sflag:$0x1] =	stream.indirect_vreg.gather [hbm4b:s3+s2], $0x80, v3, vm0, $0xb8;
	[tilespmem:$0x14080] =	vst v63  }
0x71: {  	v3 =	vld [tilespmem:$0x70];
	_ =	sdelay $0x4  }
0x72: {  	v55 =	vshll.u32 v3, $0x1  }
0x73: {  	v3 =	vand.u32 $0x7, v3;
	v4 =	vand.u32 $0xFFFFFFF0, v55  }
0x74: {  	v3 =	vor.u32 v3, v4  }
0x75: {  	v4 =	vperm.xlane v3, v0;
	_ =	sdelay $0x1  }
0x76: {  	v3 =	vperm.xlane v3, v2;
	v4 =	vadd.s32 v1, v4;
	_ =	sdelay $0x1  }
0x77: {  	v3 =	vadd.s32 v1, v3;
	_ =	sdelay $0x1  }
0x78: {  	s0 =	rddreg [dreg:$0x13]  }
0x79: {  	[tilespmem:s0], [sflag:$0x1] =	stream.indirect_vreg.gather [hbm4b:s3+s2], $0x80, v4, vm0, $0xb8;
	[tilespmem:$0x14080] =	vst v63  }
0x7a: {  	s5 =	rddreg [dreg:$0x14]  }
0x7b: {  	[tilespmem:s5], [sflag:$0x1] =	stream.indirect_vreg.gather [hbm4b:s3+s2], $0x80, v3, vm0, $0xb8;
	[tilespmem:$0x14080] =	vst v63  }
0x7c: {  	v3 =	vld [tilespmem:$0x0];
	_ =	sdelay $0x4  }
0x7d: {  	v56 =	vshll.u32 v3, $0x1  }
0x7e: {  	v3 =	vand.u32 $0x7, v3;
	v4 =	vand.u32 $0xFFFFFFF0, v56  }
0x7f: {  	v3 =	vor.u32 v3, v4  }
0x80: {  	v4 =	vperm.xlane v3, v0;
	_ =	sdelay $0x1  }
0x81: {  	v3 =	vperm.xlane v3, v2;
	v4 =	vadd.s32 v1, v4;
	_ =	sdelay $0x1  }
0x82: {  	v3 =	vadd.s32 v1, v3;
	_ =	sdelay $0x2  }
0x83: {  	[tilespmem:s10], [sflag:$0x2] =	stream.indirect_vreg.gather [hbm4b:s4+s2], $0x80, v4, vm0, $0xb8;
	[tilespmem:$0x14080] =	vst v63  }
0x84: {  	s5 =	rddreg [dreg:$0x15]  }
0x85: {  	[tilespmem:s5], [sflag:$0x2] =	stream.indirect_vreg.gather [hbm4b:s4+s2], $0x80, v3, vm0, $0xb8;
	[tilespmem:$0x14080] =	vst v63  }
0x86: {  	v3 =	vld [tilespmem:$0x10];
	_ =	sdelay $0x4  }
0x87: {  	v57 =	vshll.u32 v3, $0x1  }
0x88: {  	v3 =	vand.u32 $0x7, v3;
	v4 =	vand.u32 $0xFFFFFFF0, v57  }
0x89: {  	v3 =	vor.u32 v3, v4  }
0x8a: {  	v4 =	vperm.xlane v3, v0;
	_ =	sdelay $0x1  }
0x8b: {  	v3 =	vperm.xlane v3, v2;
	v4 =	vadd.s32 v1, v4;
	_ =	sdelay $0x1  }
0x8c: {  	v3 =	vadd.s32 v1, v3;
	_ =	sdelay $0x1  }
0x8d: {  	s5 =	rddreg [dreg:$0x16]  }
0x8e: {  	[tilespmem:s5], [sflag:$0x2] =	stream.indirect_vreg.gather [hbm4b:s4+s2], $0x80, v4, vm0, $0xb8;
	[tilespmem:$0x14080] =	vst v63  }
0x8f: {  	_ = 	snop  }
0x90: {  	[tilespmem:s11], [sflag:$0x2] =	stream.indirect_vreg.gather [hbm4b:s4+s2], $0x80, v3, vm0, $0xb8;
	[tilespmem:$0x14080] =	vst v63  }
0x91: {  	v3 =	vld [tilespmem:$0x20];
	_ =	sdelay $0x4  }
0x92: {  	v58 =	vshll.u32 v3, $0x1  }
0x93: {  	v3 =	vand.u32 $0x7, v3;
	v4 =	vand.u32 $0xFFFFFFF0, v58  }
0x94: {  	v3 =	vor.u32 v3, v4  }
0x95: {  	v4 =	vperm.xlane v3, v0;
	_ =	sdelay $0x1  }
0x96: {  	v3 =	vperm.xlane v3, v2;
	v4 =	vadd.s32 v1, v4;
	_ =	sdelay $0x1  }
0x97: {  	v3 =	vadd.s32 v1, v3;
	_ =	sdelay $0x2  }
0x98: {  	[tilespmem:s12], [sflag:$0x2] =	stream.indirect_vreg.gather [hbm4b:s4+s2], $0x80, v4, vm0, $0xb8;
	[tilespmem:$0x14080] =	vst v63  }
0x99: {  	_ = 	snop  }
0x9a: {  	[tilespmem:s13], [sflag:$0x2] =	stream.indirect_vreg.gather [hbm4b:s4+s2], $0x80, v3, vm0, $0xb8;
	[tilespmem:$0x14080] =	vst v63  }
0x9b: {  	v3 =	vld [tilespmem:$0x30];
	_ =	sdelay $0x4  }
0x9c: {  	v59 =	vshll.u32 v3, $0x1  }
0x9d: {  	v3 =	vand.u32 $0x7, v3;
	v4 =	vand.u32 $0xFFFFFFF0, v59  }
0x9e: {  	v3 =	vor.u32 v3, v4  }
0x9f: {  	v4 =	vperm.xlane v3, v0;
	_ =	sdelay $0x1  }
0xa0: {  	v3 =	vperm.xlane v3, v2;
	v4 =	vadd.s32 v1, v4;
	_ =	sdelay $0x1  }
0xa1: {  	v3 =	vadd.s32 v1, v3;
	_ =	sdelay $0x2  }
0xa2: {  	[tilespmem:s14], [sflag:$0x2] =	stream.indirect_vreg.gather [hbm4b:s4+s2], $0x80, v4, vm0, $0xb8;
	[tilespmem:$0x14080] =	vst v63  }
0xa3: {  	_ = 	snop  }
0xa4: {  	[tilespmem:s15], [sflag:$0x2] =	stream.indirect_vreg.gather [hbm4b:s4+s2], $0x80, v3, vm0, $0xb8;
	[tilespmem:$0x14080] =	vst v63  }
0xa5: {  	v3 =	vld [tilespmem:$0x40];
	_ =	sdelay $0x4  }
0xa6: {  	v60 =	vshll.u32 v3, $0x1  }
0xa7: {  	v3 =	vand.u32 $0x7, v3;
	v4 =	vand.u32 $0xFFFFFFF0, v60  }
0xa8: {  	v3 =	vor.u32 v3, v4  }
0xa9: {  	v4 =	vperm.xlane v3, v0;
	_ =	sdelay $0x1  }
0xaa: {  	v3 =	vperm.xlane v3, v2;
	v4 =	vadd.s32 v1, v4;
	_ =	sdelay $0x1  }
0xab: {  	v3 =	vadd.s32 v1, v3;
	_ =	sdelay $0x2  }
0xac: {  	[tilespmem:s16], [sflag:$0x2] =	stream.indirect_vreg.gather [hbm4b:s4+s2], $0x80, v4, vm0, $0xb8;
	[tilespmem:$0x14080] =	vst v63  }
0xad: {  	_ = 	snop  }
0xae: {  	[tilespmem:s17], [sflag:$0x2] =	stream.indirect_vreg.gather [hbm4b:s4+s2], $0x80, v3, vm0, $0xb8;
	[tilespmem:$0x14080] =	vst v63  }
0xaf: {  	v3 =	vld [tilespmem:$0x50];
	_ =	sdelay $0x4  }
0xb0: {  	v61 =	vshll.u32 v3, $0x1  }
0xb1: {  	v3 =	vand.u32 $0x7, v3;
	v4 =	vand.u32 $0xFFFFFFF0, v61  }
0xb2: {  	v3 =	vor.u32 v3, v4  }
0xb3: {  	v4 =	vperm.xlane v3, v0;
	_ =	sdelay $0x1  }
0xb4: {  	v3 =	vperm.xlane v3, v2;
	v4 =	vadd.s32 v1, v4;
	_ =	sdelay $0x1  }
0xb5: {  	v3 =	vadd.s32 v1, v3;
	_ =	sdelay $0x2  }
0xb6: {  	[tilespmem:s18], [sflag:$0x2] =	stream.indirect_vreg.gather [hbm4b:s4+s2], $0x80, v4, vm0, $0xb8;
	[tilespmem:$0x14080] =	vst v63  }
0xb7: {  	_ = 	snop  }
0xb8: {  	[tilespmem:s19], [sflag:$0x2] =	stream.indirect_vreg.gather [hbm4b:s4+s2], $0x80, v3, vm0, $0xb8;
	[tilespmem:$0x14080] =	vst v63  }
0xb9: {  	v3 =	vld [tilespmem:$0x60];
	_ =	sdelay $0x4  }
0xba: {  	v62 =	vshll.u32 v3, $0x1  }
0xbb: {  	v3 =	vand.u32 $0x7, v3;
	v4 =	vand.u32 $0xFFFFFFF0, v62  }
0xbc: {  	v3 =	vor.u32 v3, v4  }
0xbd: {  	v4 =	vperm.xlane v3, v0;
	_ =	sdelay $0x1  }
0xbe: {  	v3 =	vperm.xlane v3, v2;
	v4 =	vadd.s32 v1, v4;
	_ =	sdelay $0x1  }
0xbf: {  	v3 =	vadd.s32 v1, v3;
	_ =	sdelay $0x2  }
0xc0: {  	[tilespmem:s20], [sflag:$0x2] =	stream.indirect_vreg.gather [hbm4b:s4+s2], $0x80, v4, vm0, $0xb8;
	[tilespmem:$0x14080] =	vst v63  }
0xc1: {  	_ = 	snop  }
0xc2: {  	[tilespmem:s21], [sflag:$0x2] =	stream.indirect_vreg.gather [hbm4b:s4+s2], $0x80, v3, vm0, $0xb8;
	[tilespmem:$0x14080] =	vst v63  }
0xc3: {  	v3 =	vld [tilespmem:$0x70];
	_ =	sdelay $0x4  }
0xc4: {  	v63 =	vshll.u32 v3, $0x1  }
0xc5: {  	v3 =	vand.u32 $0x7, v3;
	v4 =	vand.u32 $0xFFFFFFF0, v63  }
0xc6: {  	v3 =	vor.u32 v3, v4  }
0xc7: {  	v4 =	vperm.xlane v3, v0;
	_ =	sdelay $0x1  }
0xc8: {  	v3 =	vperm.xlane v3, v2;
	v4 =	vadd.s32 v1, v4;
	_ =	sdelay $0x1  }
0xc9: {  	v3 =	vadd.s32 v1, v3;
	_ =	sdelay $0x2  }
0xca: {  	[tilespmem:s22], [sflag:$0x2] =	stream.indirect_vreg.gather [hbm4b:s4+s2], $0x80, v4, vm0, $0xb8;
	[tilespmem:$0x14080] =	vst v63  }
0xcb: {  	_ = 	snop  }
0xcc: {  	[tilespmem:s23], [sflag:$0x2] =	stream.indirect_vreg.gather [hbm4b:s4+s2], $0x80, v3, vm0, $0xb8;
	[tilespmem:$0x14080] =	vst v63  }
0xcd: {  	s5 =	rddreg [dreg:$0x3]  }
0xce: {  	[tilespmem:s24], [sflag:$0x3] =	stream.indirect.gather [hbm4b:s5+s9], $0x80, s2, s9, $0xb8;
	[tilespmem:$0x14080] =	vst v63  }
0xcf: {  	_ =	swait.ge [sflag:s25], $0x8000  }
0xd0: {  	[sflag:s25] =	ssyncset.done $0x0  }
0xd1: {  	[sflag:s25] =	ssyncadd.s32 $0xFFFF8000  }
0xd2: {  	_ =	swait.ge [sflag:s26], $0x8000  }
0xd3: {  	[sflag:s26] =	ssyncset.done $0x0  }
0xd4: {  	[sflag:s26] =	ssyncadd.s32 $0xFFFF8000  }
0xd5: {  	_ =	swait.ge [sflag:s28], $0x4000  }
0xd6: {  	s5 =	rddreg [dreg:$0x4];
	[sflag:s28] =	ssyncset.done $0x0  }
0xd7: {  	[sflag:s28] =	ssyncadd.s32 $0xFFFFC000;
	s0 =	sadd.s32 s1, s5  }
0xd8: {  	[hbm4b:s0+s2] =	stream.linear.scatter [tilespmem:s9], [sflag:$0x4], $0x8000, $0x38;
	[tilespmem:$0x14080] =	vst v63  }
0xd9: {  	_ =	swait.ge [sflag:s8], $0x8000  }
0xda: {  	s5 =	rddreg [dreg:$0x5];
	[sflag:s8] =	ssyncset.done $0x0  }
0xdb: {  	[sflag:s8] =	ssyncadd.s32 $0xFFFF8000;
	s0 =	sadd.s32 s1, s5  }
0xdc: {  	[hbm4b:s0+s2] =	stream.linear.scatter [tilespmem:s10], [sflag:$0x4], $0x8000, $0x38;
	[tilespmem:$0x14080] =	vst v63  }
0xdd: {  	_ =	swait.ge [sflag:s8], $0x8000  }
0xde: {  	p0 =	sne.s32 s1, $0x27000;
	[sflag:s8] =	ssyncset.done $0x0  }
.Ltmp0:
0xdf: {  	[sflag:s8] =	ssyncadd.s32 $0xFFFF8000;
	(pc) =	sbr.rel @p0 .LBB2_2-.Ltmp0, $4  }
0xe0: {  	[hbm4b:s31+s2] =	stream.linear.scatter [tilespmem:s24], [sflag:$0x4], $0x4000, $0x38;
	[tilespmem:$0x14080] =	vst v63  }
0xe1: {  	_ =	swait.ge [sflag:s8], $0x4000  }
0xe2: {  	s30 =	sadd.s32 $0x10, s30;
	[sflag:s8] =	ssyncset.done $0x0  }
0xe3: {  	s1 =	sadd.s32 $0x1000, s1;
	s31 =	sadd.s32 $0x800, s31;
	[sflag:s8] =	ssyncadd.s32 $0xFFFFC000  }
0xe4: {  	s29 =	sadd.s32 $0x1, s29;
	s0 =	rddreg [dreg:$0x17]  }
0xe5: {  	p0 =	sne.s32 s29, s0  }
.Ltmp1:
0xe6: {  	_ = 	snop;
	(pc) =	sbr.rel @p0 .LBB2_1-.Ltmp1, $1  }
0xe7: {  	_ =	sdelay $0x3  }
0xe8: {  	_ =	sfence.sel $0x180000  }
0xe9: {  	[bflag:$0x0] =	sbarrier.arrive $0xFFFF  }
0xea: {  	_ =	strace $0x90000047  }
0xeb: {  	s0 =	stileid.u32;
	[bflag:$0x2] =	sbarrier.arrive $0xFFFF  }
0xec: {  	p0 =	sne.s32 s0, $0x0;
	s0 =	rddreg [dreg:$0x2]  }
0xed: {  	s0 =	sadd.s32 @!p0 $0x100000, s0  }
0xee: {  	[sflag:s0] =	ssyncadd.tile.s32 @!p0 $0x1;
	_ =	shalt  }
.Lfunc_end2:
_tile_overlayer_lowered:
.L_overlay_start_2:
0xef: {  	(tag) =	ssettag $0x2  }
0xf0: {  	s0 =	rddreg [dreg:$0x0];
	s2 =	stileid.u32  }
0xf1: {  	s1 =	rddreg [dreg:$0x1];
	p0 =	sne.s32 s2, $0x0  }
0xf2: {  	s3 =	rddreg [dreg:$0x2];
	[bflag:$0x3] =	sbarrier.arrive $0xFFFF;
	s2 =	simm.s32 @!p0 $0x1C04  }
0xf3: {  	[timem:s3], [sflag:s2] =	dma.local @!p0 [hbm:s0], s1  }
0xf4: {  	s0 =	simm.s32 @!p0 $0x4  }
0xf5: {  	_ =	swait.ge @!p0 [sflag:s0], s1  }
0xf6: {  	s1 =	ssub.s32 @!p0 $0x0, s1;
	[sflag:s0] =	ssyncset.done @!p0 $0x0  }
0xf7: {  	[sflag:s0] =	ssyncadd.s32 @!p0 s1  }
0xf8: {  	[bflag:$0x3] =	sbarrier.arrive $0xFFFF  }
0xf9: {  	_ =	shalt  }

</sc_bundles>
